<compile_context>
chip_gen: v7x
topology: tpu7x:2x2x1
jax: 0.10.2.dev20260603
libtpu: 0.0.44.dev20260713+nightly
codegen_flags: <defaults>
</compile_context>

<pallas_src>
import functools

import jax
import jax.numpy as jnp
from jax import lax
from jax.experimental import pallas as pl
from jax.experimental.pallas import tpu as pltpu
from jax.experimental.pallas import tpu_sc as plsc

_NC = 2
_NS = 16
_NW = _NC * _NS
_CHUNK = 16384
_LANES = 16


def _sc_mul_body(sc_elems, x1_hbm, x2_hbm, o_hbm,
                 a0, b0, o0, a1, b1, o1, ls0, ls1, ss0, ss1):
    wid = lax.axis_index("s") * _NC + lax.axis_index("c")
    per_w = sc_elems // _NW
    base = wid * per_w
    n = per_w // _CHUNK

    bufs = ((a0, b0, o0, ls0, ss0), (a1, b1, o1, ls1, ss1))

    def start_load(i, a, b, ls):
        off = base + i * _CHUNK
        pltpu.async_copy(x1_hbm.at[pl.ds(off, _CHUNK)], a, ls)
        pltpu.async_copy(x2_hbm.at[pl.ds(off, _CHUNK)], b, ls)

    start_load(0, a0, b0, ls0)

    def outer(g, _):
        i0 = g * 2
        for k in range(2):
            i = i0 + k
            a, b, o, ls, ss = bufs[k]
            an, bn, on, lsn, ssn = bufs[1 - k]
            nxt = i + 1

            @pl.when(nxt < n)
            def _():
                start_load(nxt, an, bn, lsn)

            off = base + i * _CHUNK
            pltpu.make_async_copy(x1_hbm.at[pl.ds(off, _CHUNK)], a, ls).wait()
            pltpu.make_async_copy(x2_hbm.at[pl.ds(off, _CHUNK)], b, ls).wait()

            @pl.when(i >= 2)
            def _():
                poff = base + (i - 2) * _CHUNK
                pltpu.make_async_copy(o, o_hbm.at[pl.ds(poff, _CHUNK)], ss).wait()

            @plsc.parallel_loop(0, _CHUNK // _LANES, unroll=8)
            def _(j):
                s = j * _LANES
                o[pl.ds(s, _LANES)] = a[pl.ds(s, _LANES)] * b[pl.ds(s, _LANES)]

            pltpu.async_copy(o, o_hbm.at[pl.ds(off, _CHUNK)], ss)
        return 0

    lax.fori_loop(0, n // 2, outer, 0)

    for k in range(2):
        _, _, o, _, ss = bufs[k]
        off = base + (n - 2 + k) * _CHUNK
        pltpu.make_async_copy(o, o_hbm.at[pl.ds(off, _CHUNK)], ss).wait()


def _sc_mul(x1f, x2f, sc_elems):
    mesh = plsc.VectorSubcoreMesh(core_axis_name="c", subcore_axis_name="s")
    f = functools.partial(
        pl.kernel,
        out_type=jax.ShapeDtypeStruct((sc_elems,), jnp.float32),
        mesh=mesh,
        scratch_types=[
            pltpu.VMEM((_CHUNK,), jnp.float32),
            pltpu.VMEM((_CHUNK,), jnp.float32),
            pltpu.VMEM((_CHUNK,), jnp.float32),
            pltpu.VMEM((_CHUNK,), jnp.float32),
            pltpu.VMEM((_CHUNK,), jnp.float32),
            pltpu.VMEM((_CHUNK,), jnp.float32),
            pltpu.SemaphoreType.DMA,
            pltpu.SemaphoreType.DMA,
            pltpu.SemaphoreType.DMA,
            pltpu.SemaphoreType.DMA,
        ],
    )(functools.partial(_sc_mul_body, sc_elems))
    return f(x1f, x2f)


def _tc_mul_body(x1_ref, x2_ref, o_ref):
    o_ref[...] = x1_ref[...] * x2_ref[...]


def _tc_mul(x1f, x2f, row0):
    R, N = x1f.shape
    BS = 256
    rows = R - row0
    blk0 = row0 // BS
    return pl.pallas_call(
        _tc_mul_body,
        grid=(rows // BS,),
        in_specs=[
            pl.BlockSpec((BS, N), lambda i: (i + blk0, 0)),
            pl.BlockSpec((BS, N), lambda i: (i + blk0, 0)),
        ],
        out_specs=pl.BlockSpec((BS, N), lambda i: (i, 0)),
        out_shape=jax.ShapeDtypeStruct((rows, N), x1f.dtype),
    )(x1f, x2f)


_SC_ROWS = 3328


def kernel(x1, x2):
    B, M, N = x1.shape
    R = B * M
    x1f = x1.reshape(R, N)
    x2f = x2.reshape(R, N)
    E = R * N
    sc_out = _sc_mul(x1f.reshape(E), x2f.reshape(E), _SC_ROWS * N)
    tc_out = _tc_mul(x1f, x2f, _SC_ROWS)
    out = jnp.concatenate([sc_out.reshape(_SC_ROWS, N), tc_out], axis=0)
    return out.reshape(B, M, N)

# --- scband reference (transcript-rebuilt; emitter-appended) ---
"""Pipeline reference for scband-efficient-memory-hadamard-30760555774280 (READ-ONLY COPY).

The authoritative reference and input builder live on the scoring server;
editing this copy changes nothing except your own understanding.
"""

import jax, jax.numpy as jnp
import numpy as np


def setup_inputs(seed: int = 0) -> dict:
    key = jax.random.key(seed)
    k1, k2 = jax.random.split(key, 2)
    x1 = jax.random.normal(k1, (2, 8192, 4096), dtype=jnp.float32)
    x2 = jax.random.normal(k2, (2, 8192, 4096), dtype=jnp.float32)
    return {"x1": x1, "x2": x2}


def reference(x1, x2):
    # EfficientMemoryHadamard.forward returns only `result = x1 * x2`.
    # The outlier/SVD compression machinery (get_statistics,
    # true_divide_outliner_suboutlinear_svd_compress) only produces compressed
    # activations saved for backward and side-band state (R/Rinv/outliner),
    # none of which affect the module's returned value. The faithful math of
    # the forward pass is the elementwise Hadamard product.
    result = x1 * x2
    return result

if __name__ == "__main__":
    import jax
    _d = setup_inputs()
    print(jax.jit(kernel)(*tuple(_d.values())))

</pallas_src>

<mosaic_0001>
#map = affine_map<(d0, d1) -> (0)>
module attributes {stable_mosaic.version = 14 : i64} {
  func.func @_sc_mul_body(%arg0: i32, %arg1: i32, %arg2: memref<67108864xf32, #tpu.memory_space<hbm>>, %arg3: memref<67108864xf32, #tpu.memory_space<hbm>>, %arg4: memref<13631488xf32, #tpu.memory_space<hbm>>, %arg5: memref<16384xf32, #tpu.memory_space<vmem>>, %arg6: memref<16384xf32, #tpu.memory_space<vmem>>, %arg7: memref<16384xf32, #tpu.memory_space<vmem>>, %arg8: memref<16384xf32, #tpu.memory_space<vmem>>, %arg9: memref<16384xf32, #tpu.memory_space<vmem>>, %arg10: memref<16384xf32, #tpu.memory_space<vmem>>, %arg11: memref<!tpu.dma_semaphore, #tpu.memory_space<semaphore_mem>>, %arg12: memref<!tpu.dma_semaphore, #tpu.memory_space<semaphore_mem>>, %arg13: memref<!tpu.dma_semaphore, #tpu.memory_space<semaphore_mem>>, %arg14: memref<!tpu.dma_semaphore, #tpu.memory_space<semaphore_mem>>) attributes {dimension_semantics = [#tpu.dimension_semantics<core_parallel>, #tpu.dimension_semantics<subcore_parallel>], iteration_bounds = array<i64: 2, 16>, scalar_prefetch = 0 : i64, scratch_operands = 10 : i64, tpu.core_type = #tpu.core_type<sc_vector_subcore>, window_params = [{transform_indices = #map}, {transform_indices = #map}, {transform_indices = #map}]} {
    %mul3A = arith.constant 2 : i32
    %mul3A_0 = arith.muli %arg1, %mul3A : i32
    %add3A = arith.addi %mul3A_0, %arg0 : i32
    %mul3A_1 = arith.constant 425984 : i32
    %mul3A_2 = arith.muli %add3A, %mul3A_1 : i32
    %add3A_3 = arith.constant 0 : i32
    %add3A_4 = arith.addi %mul3A_2, %add3A_3 : i32
    %dma_start3A = tpu.memref_slice %arg2[%add3A_4] : memref<67108864xf32, #tpu.memory_space<hbm>> -> memref<16384xf32, #tpu.memory_space<hbm>>
    %dma_start3A_5 = tpu.memref_slice %arg2[%add3A_4] : memref<67108864xf32, #tpu.memory_space<hbm>> -> memref<16384xf32, #tpu.memory_space<hbm>>
    tpu.enqueue_dma source(%dma_start3A_5 : memref<16384xf32, #tpu.memory_space<hbm>>) target(%arg5 : memref<16384xf32, #tpu.memory_space<vmem>>) target_semaphore(%arg11 : memref<!tpu.dma_semaphore, #tpu.memory_space<semaphore_mem>>)
    %dma_start3A_6 = tpu.memref_slice %arg3[%add3A_4] : memref<67108864xf32, #tpu.memory_space<hbm>> -> memref<16384xf32, #tpu.memory_space<hbm>>
    %dma_start3A_7 = tpu.memref_slice %arg3[%add3A_4] : memref<67108864xf32, #tpu.memory_space<hbm>> -> memref<16384xf32, #tpu.memory_space<hbm>>
    tpu.enqueue_dma source(%dma_start3A_7 : memref<16384xf32, #tpu.memory_space<hbm>>) target(%arg6 : memref<16384xf32, #tpu.memory_space<vmem>>) target_semaphore(%arg11 : memref<!tpu.dma_semaphore, #tpu.memory_space<semaphore_mem>>)
    %scan3A = arith.constant 0 : i32
    %scan3A_8 = arith.constant 0 : i32
    %scan3A_9 = arith.constant 13 : i32
    %scan3A_10 = arith.addi %scan3A_8, %scan3A_9 : i32
    %scan3A_11 = arith.constant 1 : i32
    %scan3A_12 = scf.for %scan3A_21 = %scan3A_8 to %scan3A_10 step %scan3A_11 iter_args(%scan3A_22 = %scan3A) -> (i32)  : i32 {
      %mul3A_23 = arith.constant 2 : i32
      %mul3A_24 = arith.muli %scan3A_21, %mul3A_23 : i32
      %add3A_25 = arith.constant 0 : i32
      %add3A_26 = arith.addi %mul3A_24, %add3A_25 : i32
      %add3A_27 = arith.constant 1 : i32
      %add3A_28 = arith.addi %add3A_26, %add3A_27 : i32
      %lt3A = arith.constant 26 : i32
      %lt3A_29 = arith.cmpi slt, %add3A_28, %lt3A : i32
      %convert_element_type3A = arith.extui %lt3A_29 : i1 to i32
      %cond3A = arith.constant 0 : i32
      %cond3A_30 = arith.cmpi ne, %convert_element_type3A, %cond3A : i32
      scf.if %cond3A_30 {
        %mul3A_73 = arith.constant 16384 : i32
        %mul3A_74 = arith.muli %add3A_28, %mul3A_73 : i32
        %add3A_75 = arith.addi %mul3A_2, %mul3A_74 : i32
        %dma_start3A_76 = tpu.memref_slice %arg2[%add3A_75] : memref<67108864xf32, #tpu.memory_space<hbm>> -> memref<16384xf32, #tpu.memory_space<hbm>>
        %dma_start3A_77 = tpu.memref_slice %arg2[%add3A_75] : memref<67108864xf32, #tpu.memory_space<hbm>> -> memref<16384xf32, #tpu.memory_space<hbm>>
        tpu.enqueue_dma source(%dma_start3A_77 : memref<16384xf32, #tpu.memory_space<hbm>>) target(%arg8 : memref<16384xf32, #tpu.memory_space<vmem>>) target_semaphore(%arg12 : memref<!tpu.dma_semaphore, #tpu.memory_space<semaphore_mem>>)
        %dma_start3A_78 = tpu.memref_slice %arg3[%add3A_75] : memref<67108864xf32, #tpu.memory_space<hbm>> -> memref<16384xf32, #tpu.memory_space<hbm>>
        %dma_start3A_79 = tpu.memref_slice %arg3[%add3A_75] : memref<67108864xf32, #tpu.memory_space<hbm>> -> memref<16384xf32, #tpu.memory_space<hbm>>
        tpu.enqueue_dma source(%dma_start3A_79 : memref<16384xf32, #tpu.memory_space<hbm>>) target(%arg9 : memref<16384xf32, #tpu.memory_space<vmem>>) target_semaphore(%arg12 : memref<!tpu.dma_semaphore, #tpu.memory_space<semaphore_mem>>)
      } else {
      }
      %mul3A_31 = arith.constant 16384 : i32
      %mul3A_32 = arith.muli %add3A_26, %mul3A_31 : i32
      %add3A_33 = arith.addi %mul3A_2, %mul3A_32 : i32
      %dma_wait3A_34 = tpu.memref_slice %arg2[%add3A_33] : memref<67108864xf32, #tpu.memory_space<hbm>> -> memref<16384xf32, #tpu.memory_space<hbm>>
      %dma_wait3A_35 = tpu.memref_slice %arg2[%add3A_33] : memref<67108864xf32, #tpu.memory_space<hbm>> -> memref<16384xf32, #tpu.memory_space<hbm>>
      tpu.wait_dma2 semaphore(%arg11 : memref<!tpu.dma_semaphore, #tpu.memory_space<semaphore_mem>>) src(%dma_wait3A_35 : memref<16384xf32, #tpu.memory_space<hbm>>) dst(%arg5 : memref<16384xf32, #tpu.memory_space<vmem>>)
      %dma_wait3A_36 = tpu.memref_slice %arg3[%add3A_33] : memref<67108864xf32, #tpu.memory_space<hbm>> -> memref<16384xf32, #tpu.memory_space<hbm>>
      %dma_wait3A_37 = tpu.memref_slice %arg3[%add3A_33] : memref<67108864xf32, #tpu.memory_space<hbm>> -> memref<16384xf32, #tpu.memory_space<hbm>>
      tpu.wait_dma2 semaphore(%arg11 : memref<!tpu.dma_semaphore, #tpu.memory_space<semaphore_mem>>) src(%dma_wait3A_37 : memref<16384xf32, #tpu.memory_space<hbm>>) dst(%arg6 : memref<16384xf32, #tpu.memory_space<vmem>>)
      %ge3A = arith.constant 2 : i32
      %ge3A_38 = arith.cmpi sge, %add3A_26, %ge3A : i32
      %convert_element_type3A_39 = arith.extui %ge3A_38 : i1 to i32
      %cond3A_40 = arith.constant 0 : i32
      %cond3A_41 = arith.cmpi ne, %convert_element_type3A_39, %cond3A_40 : i32
      scf.if %cond3A_41 {
        %sub3A = arith.constant 2 : i32
        %sub3A_73 = arith.subi %add3A_26, %sub3A : i32
        %mul3A_74 = arith.constant 16384 : i32
        %mul3A_75 = arith.muli %sub3A_73, %mul3A_74 : i32
        %add3A_76 = arith.addi %mul3A_2, %mul3A_75 : i32
        %dma_wait3A_77 = tpu.memref_slice %arg4[%add3A_76] : memref<13631488xf32, #tpu.memory_space<hbm>> -> memref<16384xf32, #tpu.memory_space<hbm>>
        %dma_wait3A_78 = tpu.memref_slice %arg4[%add3A_76] : memref<13631488xf32, #tpu.memory_space<hbm>> -> memref<16384xf32, #tpu.memory_space<hbm>>
        tpu.wait_dma2 semaphore(%arg13 : memref<!tpu.dma_semaphore, #tpu.memory_space<semaphore_mem>>) src(%arg7 : memref<16384xf32, #tpu.memory_space<vmem>>) dst(%dma_wait3A_78 : memref<16384xf32, #tpu.memory_space<hbm>>)
      } else {
      }
      %parallel_loop3A = arith.constant 0 : i32
      %parallel_loop3A_42 = arith.constant 1024 : i32
      %parallel_loop3A_43 = arith.constant 1 : i32
      scf.for %parallel_loop3A_73 = %parallel_loop3A to %parallel_loop3A_42 step %parallel_loop3A_43  : i32 {
        %parallel_loop3A_74 = arith.constant 16 : i32
        %parallel_loop3A_75 = arith.muli %parallel_loop3A_73, %parallel_loop3A_74 : i32
        %parallel_loop3A_76 = arith.index_cast %parallel_loop3A_75 : i32 to index
        %parallel_loop3A_77 = tpu.vector_load %arg5[%parallel_loop3A_76] {strides = array<i32>} : memref<16384xf32, #tpu.memory_space<vmem>>, vector<16xf32>,
        %parallel_loop3A_78 = vector.shape_cast %parallel_loop3A_77 : vector<16xf32> to vector<16xf32>
        %parallel_loop3A_79 = arith.index_cast %parallel_loop3A_75 : i32 to index
        %parallel_loop3A_80 = tpu.vector_load %arg6[%parallel_loop3A_79] {strides = array<i32>} : memref<16384xf32, #tpu.memory_space<vmem>>, vector<16xf32>,
        %parallel_loop3A_81 = vector.shape_cast %parallel_loop3A_80 : vector<16xf32> to vector<16xf32>
        %parallel_loop3A_82 = arith.mulf %parallel_loop3A_78, %parallel_loop3A_81 : vector<16xf32>
        %parallel_loop3A_83 = arith.index_cast %parallel_loop3A_75 : i32 to index
        %parallel_loop3A_84 = tpu.vector_load %arg7[%parallel_loop3A_83] {strides = array<i32>} : memref<16384xf32, #tpu.memory_space<vmem>>, vector<16xf32>,
        %parallel_loop3A_85 = vector.shape_cast %parallel_loop3A_84 : vector<16xf32> to vector<16xf32>
        %parallel_loop3A_86 = vector.shape_cast %parallel_loop3A_82 : vector<16xf32> to vector<16xf32>
        tpu.vector_store %arg7[%parallel_loop3A_83], %parallel_loop3A_86 {strides = array<i32>} : memref<16384xf32, #tpu.memory_space<vmem>>, vector<16xf32>,
      } {sc.loop_unroll_factor = 8 : i64, sc.parallel_access}
      %dma_start3A_44 = tpu.memref_slice %arg4[%add3A_33] : memref<13631488xf32, #tpu.memory_space<hbm>> -> memref<16384xf32, #tpu.memory_space<hbm>>
      %dma_start3A_45 = tpu.memref_slice %arg4[%add3A_33] : memref<13631488xf32, #tpu.memory_space<hbm>> -> memref<16384xf32, #tpu.memory_space<hbm>>
      tpu.enqueue_dma source(%arg7 : memref<16384xf32, #tpu.memory_space<vmem>>) target(%dma_start3A_45 : memref<16384xf32, #tpu.memory_space<hbm>>) target_semaphore(%arg13 : memref<!tpu.dma_semaphore, #tpu.memory_space<semaphore_mem>>)
      %add3A_46 = arith.constant 1 : i32
      %add3A_47 = arith.addi %mul3A_24, %add3A_46 : i32
      %add3A_48 = arith.constant 1 : i32
      %add3A_49 = arith.addi %add3A_47, %add3A_48 : i32
      %lt3A_50 = arith.constant 26 : i32
      %lt3A_51 = arith.cmpi slt, %add3A_49, %lt3A_50 : i32
      %convert_element_type3A_52 = arith.extui %lt3A_51 : i1 to i32
      %cond3A_53 = arith.constant 0 : i32
      %cond3A_54 = arith.cmpi ne, %convert_element_type3A_52, %cond3A_53 : i32
      scf.if %cond3A_54 {
        %mul3A_73 = arith.constant 16384 : i32
        %mul3A_74 = arith.muli %add3A_49, %mul3A_73 : i32
        %add3A_75 = arith.addi %mul3A_2, %mul3A_74 : i32
        %dma_start3A_76 = tpu.memref_slice %arg2[%add3A_75] : memref<67108864xf32, #tpu.memory_space<hbm>> -> memref<16384xf32, #tpu.memory_space<hbm>>
        %dma_start3A_77 = tpu.memref_slice %arg2[%add3A_75] : memref<67108864xf32, #tpu.memory_space<hbm>> -> memref<16384xf32, #tpu.memory_space<hbm>>
        tpu.enqueue_dma source(%dma_start3A_77 : memref<16384xf32, #tpu.memory_space<hbm>>) target(%arg5 : memref<16384xf32, #tpu.memory_space<vmem>>) target_semaphore(%arg11 : memref<!tpu.dma_semaphore, #tpu.memory_space<semaphore_mem>>)
        %dma_start3A_78 = tpu.memref_slice %arg3[%add3A_75] : memref<67108864xf32, #tpu.memory_space<hbm>> -> memref<16384xf32, #tpu.memory_space<hbm>>
        %dma_start3A_79 = tpu.memref_slice %arg3[%add3A_75] : memref<67108864xf32, #tpu.memory_space<hbm>> -> memref<16384xf32, #tpu.memory_space<hbm>>
        tpu.enqueue_dma source(%dma_start3A_79 : memref<16384xf32, #tpu.memory_space<hbm>>) target(%arg6 : memref<16384xf32, #tpu.memory_space<vmem>>) target_semaphore(%arg11 : memref<!tpu.dma_semaphore, #tpu.memory_space<semaphore_mem>>)
      } else {
      }
      %mul3A_55 = arith.constant 16384 : i32
      %mul3A_56 = arith.muli %add3A_47, %mul3A_55 : i32
      %add3A_57 = arith.addi %mul3A_2, %mul3A_56 : i32
      %dma_wait3A_58 = tpu.memref_slice %arg2[%add3A_57] : memref<67108864xf32, #tpu.memory_space<hbm>> -> memref<16384xf32, #tpu.memory_space<hbm>>
      %dma_wait3A_59 = tpu.memref_slice %arg2[%add3A_57] : memref<67108864xf32, #tpu.memory_space<hbm>> -> memref<16384xf32, #tpu.memory_space<hbm>>
      tpu.wait_dma2 semaphore(%arg12 : memref<!tpu.dma_semaphore, #tpu.memory_space<semaphore_mem>>) src(%dma_wait3A_59 : memref<16384xf32, #tpu.memory_space<hbm>>) dst(%arg8 : memref<16384xf32, #tpu.memory_space<vmem>>)
      %dma_wait3A_60 = tpu.memref_slice %arg3[%add3A_57] : memref<67108864xf32, #tpu.memory_space<hbm>> -> memref<16384xf32, #tpu.memory_space<hbm>>
      %dma_wait3A_61 = tpu.memref_slice %arg3[%add3A_57] : memref<67108864xf32, #tpu.memory_space<hbm>> -> memref<16384xf32, #tpu.memory_space<hbm>>
      tpu.wait_dma2 semaphore(%arg12 : memref<!tpu.dma_semaphore, #tpu.memory_space<semaphore_mem>>) src(%dma_wait3A_61 : memref<16384xf32, #tpu.memory_space<hbm>>) dst(%arg9 : memref<16384xf32, #tpu.memory_space<vmem>>)
      %ge3A_62 = arith.constant 2 : i32
      %ge3A_63 = arith.cmpi sge, %add3A_47, %ge3A_62 : i32
      %convert_element_type3A_64 = arith.extui %ge3A_63 : i1 to i32
      %cond3A_65 = arith.constant 0 : i32
      %cond3A_66 = arith.cmpi ne, %convert_element_type3A_64, %cond3A_65 : i32
      scf.if %cond3A_66 {
        %sub3A = arith.constant 2 : i32
        %sub3A_73 = arith.subi %add3A_47, %sub3A : i32
        %mul3A_74 = arith.constant 16384 : i32
        %mul3A_75 = arith.muli %sub3A_73, %mul3A_74 : i32
        %add3A_76 = arith.addi %mul3A_2, %mul3A_75 : i32
        %dma_wait3A_77 = tpu.memref_slice %arg4[%add3A_76] : memref<13631488xf32, #tpu.memory_space<hbm>> -> memref<16384xf32, #tpu.memory_space<hbm>>
        %dma_wait3A_78 = tpu.memref_slice %arg4[%add3A_76] : memref<13631488xf32, #tpu.memory_space<hbm>> -> memref<16384xf32, #tpu.memory_space<hbm>>
        tpu.wait_dma2 semaphore(%arg14 : memref<!tpu.dma_semaphore, #tpu.memory_space<semaphore_mem>>) src(%arg10 : memref<16384xf32, #tpu.memory_space<vmem>>) dst(%dma_wait3A_78 : memref<16384xf32, #tpu.memory_space<hbm>>)
      } else {
      }
      %parallel_loop3A_67 = arith.constant 0 : i32
      %parallel_loop3A_68 = arith.constant 1024 : i32
      %parallel_loop3A_69 = arith.constant 1 : i32
      scf.for %parallel_loop3A_73 = %parallel_loop3A_67 to %parallel_loop3A_68 step %parallel_loop3A_69  : i32 {
        %parallel_loop3A_74 = arith.constant 16 : i32
        %parallel_loop3A_75 = arith.muli %parallel_loop3A_73, %parallel_loop3A_74 : i32
        %parallel_loop3A_76 = arith.index_cast %parallel_loop3A_75 : i32 to index
        %parallel_loop3A_77 = tpu.vector_load %arg8[%parallel_loop3A_76] {strides = array<i32>} : memref<16384xf32, #tpu.memory_space<vmem>>, vector<16xf32>,
        %parallel_loop3A_78 = vector.shape_cast %parallel_loop3A_77 : vector<16xf32> to vector<16xf32>
        %parallel_loop3A_79 = arith.index_cast %parallel_loop3A_75 : i32 to index
        %parallel_loop3A_80 = tpu.vector_load %arg9[%parallel_loop3A_79] {strides = array<i32>} : memref<16384xf32, #tpu.memory_space<vmem>>, vector<16xf32>,
        %parallel_loop3A_81 = vector.shape_cast %parallel_loop3A_80 : vector<16xf32> to vector<16xf32>
        %parallel_loop3A_82 = arith.mulf %parallel_loop3A_78, %parallel_loop3A_81 : vector<16xf32>
        %parallel_loop3A_83 = arith.index_cast %parallel_loop3A_75 : i32 to index
        %parallel_loop3A_84 = tpu.vector_load %arg10[%parallel_loop3A_83] {strides = array<i32>} : memref<16384xf32, #tpu.memory_space<vmem>>, vector<16xf32>,
        %parallel_loop3A_85 = vector.shape_cast %parallel_loop3A_84 : vector<16xf32> to vector<16xf32>
        %parallel_loop3A_86 = vector.shape_cast %parallel_loop3A_82 : vector<16xf32> to vector<16xf32>
        tpu.vector_store %arg10[%parallel_loop3A_83], %parallel_loop3A_86 {strides = array<i32>} : memref<16384xf32, #tpu.memory_space<vmem>>, vector<16xf32>,
      } {sc.loop_unroll_factor = 8 : i64, sc.parallel_access}
      %dma_start3A_70 = tpu.memref_slice %arg4[%add3A_57] : memref<13631488xf32, #tpu.memory_space<hbm>> -> memref<16384xf32, #tpu.memory_space<hbm>>
      %dma_start3A_71 = tpu.memref_slice %arg4[%add3A_57] : memref<13631488xf32, #tpu.memory_space<hbm>> -> memref<16384xf32, #tpu.memory_space<hbm>>
      tpu.enqueue_dma source(%arg10 : memref<16384xf32, #tpu.memory_space<vmem>>) target(%dma_start3A_71 : memref<16384xf32, #tpu.memory_space<hbm>>) target_semaphore(%arg14 : memref<!tpu.dma_semaphore, #tpu.memory_space<semaphore_mem>>)
      %scan3A_72 = arith.constant 0 : i32
      scf.yield %scan3A_72 : i32
    }
    %scan3A_13 = arith.constant 13 : i32
    %add3A_14 = arith.constant 393216 : i32
    %add3A_15 = arith.addi %mul3A_2, %add3A_14 : i32
    %dma_wait3A = tpu.memref_slice %arg4[%add3A_15] : memref<13631488xf32, #tpu.memory_space<hbm>> -> memref<16384xf32, #tpu.memory_space<hbm>>
    %dma_wait3A_16 = tpu.memref_slice %arg4[%add3A_15] : memref<13631488xf32, #tpu.memory_space<hbm>> -> memref<16384xf32, #tpu.memory_space<hbm>>
    tpu.wait_dma2 semaphore(%arg13 : memref<!tpu.dma_semaphore, #tpu.memory_space<semaphore_mem>>) src(%arg7 : memref<16384xf32, #tpu.memory_space<vmem>>) dst(%dma_wait3A_16 : memref<16384xf32, #tpu.memory_space<hbm>>)
    %add3A_17 = arith.constant 409600 : i32
    %add3A_18 = arith.addi %mul3A_2, %add3A_17 : i32
    %dma_wait3A_19 = tpu.memref_slice %arg4[%add3A_18] : memref<13631488xf32, #tpu.memory_space<hbm>> -> memref<16384xf32, #tpu.memory_space<hbm>>
    %dma_wait3A_20 = tpu.memref_slice %arg4[%add3A_18] : memref<13631488xf32, #tpu.memory_space<hbm>> -> memref<16384xf32, #tpu.memory_space<hbm>>
    tpu.wait_dma2 semaphore(%arg14 : memref<!tpu.dma_semaphore, #tpu.memory_space<semaphore_mem>>) src(%arg10 : memref<16384xf32, #tpu.memory_space<vmem>>) dst(%dma_wait3A_20 : memref<16384xf32, #tpu.memory_space<hbm>>)
    return
  }
}

module attributes {stable_mosaic.version = 14 : i64} {
  func.func @_tc_mul_body(%arg0: i32, %arg1: memref<256x4096xf32, #tpu.memory_space<vmem>>, %arg2: memref<256x4096xf32, #tpu.memory_space<vmem>>, %arg3: memref<256x4096xf32, #tpu.memory_space<vmem>>) attributes {dimension_semantics = [#tpu.dimension_semantics<arbitrary>], iteration_bounds = array<i64: 51>, scalar_prefetch = 0 : i64, scratch_operands = 0 : i64, tpu.core_type = #tpu.core_type<tc>, window_params = [{transform_indices = @transform_0, window_bounds = array<i64: 256, 4096>}, {transform_indices = @transform_1, window_bounds = array<i64: 256, 4096>}, {transform_indices = @transform_2, window_bounds = array<i64: 256, 4096>}]} {
    %get3A = arith.constant 0 : index
    %get3A_0 = arith.constant 0 : index
    %get3A_1 = vector.load %arg1[%get3A, %get3A_0] : memref<256x4096xf32, #tpu.memory_space<vmem>>, vector<256x4096xf32>
    %get3A_2 = arith.constant 0 : index
    %get3A_3 = arith.constant 0 : index
    %get3A_4 = vector.load %arg2[%get3A_2, %get3A_3] : memref<256x4096xf32, #tpu.memory_space<vmem>>, vector<256x4096xf32>
    %mul3A = arith.mulf %get3A_1, %get3A_4 : vector<256x4096xf32>
    %swap3A = arith.constant 0 : index
    %swap3A_5 = arith.constant 0 : index
    %swap3A_6 = vector.load %arg3[%swap3A, %swap3A_5] : memref<256x4096xf32, #tpu.memory_space<vmem>>, vector<256x4096xf32>
    tpu.vector_store %arg3[%swap3A, %swap3A_5], %mul3A {strides = array<i32>} : memref<256x4096xf32, #tpu.memory_space<vmem>>, vector<256x4096xf32>,
    return
  }
  func.func @transform_0(%arg0: i32) -> (i32, i32) {
    %add3A = arith.constant 13 : i32
    %add3A_0 = arith.addi %arg0, %add3A : i32
    %c0_i32 = arith.constant 0 : i32
    %c0_i32_1 = arith.constant 0 : i32
    return %add3A_0, %c0_i32 : i32, i32
  }
  func.func @transform_1(%arg0: i32) -> (i32, i32) {
    %add3A = arith.constant 13 : i32
    %add3A_0 = arith.addi %arg0, %add3A : i32
    %c0_i32 = arith.constant 0 : i32
    %c0_i32_1 = arith.constant 0 : i32
    return %add3A_0, %c0_i32 : i32, i32
  }
  func.func @transform_2(%arg0: i32) -> (i32, i32) {
    %c0_i32 = arith.constant 0 : i32
    %c0_i32_0 = arith.constant 0 : i32
    return %arg0, %c0_i32 : i32, i32
  }
}

</mosaic_0001>

<sc_bundles>
// kernel: kernel.4.cloned.1.call-start
scs
__scs_entry_jumppad:
0x0: {  	(pc) =	sbr.rel $0x88, $3  }
0x1: {  	(tag) =	ssettag $0x0;
	lr =	simm.s32 $0x1  }
0x2: {  	[smem:$0x3F9F] =	sst lr;
	_ =	strace $0xD0000000  }
0x3: {  	_ = 	snop  }
0x4: {  	_ = 	snop  }
0x5: {  	_ = 	snop  }
0x6: {  	_ = 	snop  }
0x7: {  	_ = 	snop  }
__scs_overlays_trampoline_lowered:
0x8: {  	[smem:$0x3FAE] =	sst s0  }
0x9: {  	[smem:$0x3FAF] =	sst s1  }
0xa: {  	[smem:$0x3FB0] =	sst s2  }
0xb: {  	[smem:$0x3FB1] =	sst s3  }
0xc: {  	[smem:$0x3FB2] =	sst s4  }
0xd: {  	[smem:$0x3FB3] =	sst s5  }
0xe: {  	[smem:$0x3FB4] =	sst s6  }
0xf: {  	[smem:$0x3FB5] =	sst s7  }
0x10: {  	[smem:$0x3FB6] =	sst s8  }
0x11: {  	[smem:$0x3FB7] =	sst s9;
	s0 =	simm.s32 @!p0 $0x0  }
0x12: {  	s1 =	sld [smem:$0x3F9D];
	s0 =	simm.s32 @p0 $0x1  }
0x13: {  	[smem:$0x3FB8] =	sst s0;
	s0 =	simm.s32 @!p1 $0x0  }
0x14: {  	s2 =	sld [smem:$0x3F9C];
	s0 =	simm.s32 @p1 $0x1  }
0x15: {  	[smem:$0x3FB9] =	sst s0;
	s0 =	simm.s32 @!p2 $0x0  }
0x16: {  	s3 =	sld [smem:$0x3FDB];
	s0 =	simm.s32 @p2 $0x1  }
0x17: {  	s4 =	simm.s32 $0x1BF5;
	[smem:$0x3FBB] =	sst s0  }
0x18: {  	s0 =	sld [smem:$0x3F9E];
	_ =	swait.ge [sflag:s4], $0x0  }
0x19: {  	s7 =	sld [smem:$0x3F9F]  }
0x1a: {  	s8 =	sadd.s32 $0xFFFFE003, lr  }
0x1b: {  	s9 =	sadd.s32 $0xFFFFFEF7, lr;
	s5 =	simm.s32 $0xFFFFFFFF;
	p2 =	slt.u32 s8, $0xFFFFF086  }
0x1c: {  	p1 =	slt.u32 s9, $0xF7A;
	s5 =	simm.s32 @!p2 $0x0  }
0x1d: {  	s5 =	simm.s32 @p1 $0x1;
	p0 =	seq.s32 s7, s2  }
0x1e: {  	s7 =	smul.u32 @!p0 $0xF7A, s2;
	p2 =	seq.s32 @!p0 s5, $0x0  }
0x1f: {  	s9 =	smul.u32 $0xF7A, s1;
	s8 =	simm.s32 @!p0 $0x1BF5;
	p2 =	por !p2, p0  }
0x20: {  	[sflag:s8] =	ssyncset.s32 @!p0 $0xFFFFF086;
	s6 =	sadd.s32 @!p0 s3, s7;
	s7 =	simm.s32 @!p0 $0x108  }
0x21: {  	s3 =	sadd.s32 s3, s9;
	s6 =	sadd.s32 @!p0 $0x88, s6;
	s7 =	simm.s32 @p2 $0x1082  }
0x22: {  	[simem:s7], [sflag:s8] =	dma.local @!p0 [hbm:s6], $0xF7A  }
0x23: {  	s9 =	sor.u32 $0xD0000000, s2;
	s6 =	simm.s32 $0x108;
	_ =	swait.ge @!p0 [sflag:s8], $0x0  }
0x24: {  	s3 =	sadd.s32 $0x88, s3;
	s6 =	simm.s32 @!p1 $0x1082;
	[sflag:s4] =	ssyncset.s32 $0xFFFFF086  }
0x25: {  	[simem:s6], [sflag:s4] =	dma.local [hbm:s3], $0xF7A  }
0x26: {  	[smem:$0x3F9F] =	sst s1;
	(tag) =	ssettag s2;
	_ =	strace s9  }
0x27: {  	s1 =	sld [smem:$0x3FAF]  }
0x28: {  	s2 =	sld [smem:$0x3FB0]  }
0x29: {  	s4 =	sld [smem:$0x3FB2]  }
0x2a: {  	p0 =	seq.s32 s5, $0x0;
	s5 =	sld [smem:$0x3FB3]  }
0x2b: {  	s6 =	sld [smem:$0x3FB4]  }
0x2c: {  	s7 =	sld [smem:$0x3FB5]  }
0x2d: {  	s3 =	simm.s32 $0x108;
	s8 =	sld [smem:$0x3FB6]  }
0x2e: {  	s3 =	simm.s32 @!p0 $0x1082;
	s9 =	sld [smem:$0x3FB7]  }
0x2f: {  	lr =	sadd.s32 s0, s3;
	s0 =	sld [smem:$0x3FAE]  }
0x30: {  	s3 =	sld [smem:$0x3FB1]  }
0x31: {  	[smem:$0x3FBA] =	sst s10  }
0x32: {  	s10 =	sld [smem:$0x3FB8];
	_ =	sdelay $0x3  }
0x33: {  	p0 =	seq.s32 s10, $0x1;
	s10 =	sld [smem:$0x3FBA];
	_ =	sdelay $0x3  }
0x34: {  	[smem:$0x3FBA] =	sst s10  }
0x35: {  	s10 =	sld [smem:$0x3FB9];
	_ =	sdelay $0x3  }
0x36: {  	p1 =	seq.s32 s10, $0x1;
	s10 =	sld [smem:$0x3FBA];
	_ =	sdelay $0x3  }
0x37: {  	[smem:$0x3FBA] =	sst s10  }
0x38: {  	s10 =	sld [smem:$0x3FBB]  }
0x39: {  	_ = 	snop;
	(pc) =	sbr.ind lr, $3  }
0x3a: {  	_ = 	snop  }
0x3b: {  	_ = 	snop  }
0x3c: {  	p2 =	seq.s32 s10, $0x1;
	s10 =	sld [smem:$0x3FBA]  }
0x3d: {  	_ =	shalt  }
0x3e: {  	_ =	shalt  }
0x3f: {  	_ =	shalt  }
0x40: {  	_ =	shalt  }
0x41: {  	_ =	shalt  }
0x42: {  	_ =	shalt  }
0x43: {  	_ =	shalt  }
0x44: {  	_ =	shalt  }
0x45: {  	_ =	shalt  }
0x46: {  	_ =	shalt  }
0x47: {  	_ =	shalt  }
0x48: {  	_ =	shalt  }
0x49: {  	_ =	shalt  }
0x4a: {  	_ =	shalt  }
0x4b: {  	_ =	shalt  }
0x4c: {  	_ =	shalt  }
0x4d: {  	_ =	shalt  }
0x4e: {  	_ =	shalt  }
0x4f: {  	_ =	shalt  }
0x50: {  	_ =	shalt  }
0x51: {  	_ =	shalt  }
0x52: {  	_ =	shalt  }
0x53: {  	_ =	shalt  }
0x54: {  	_ =	shalt  }
0x55: {  	_ =	shalt  }
0x56: {  	_ =	shalt  }
0x57: {  	_ =	shalt  }
0x58: {  	_ =	shalt  }
0x59: {  	_ =	shalt  }
0x5a: {  	_ =	shalt  }
0x5b: {  	_ =	shalt  }
0x5c: {  	_ =	shalt  }
0x5d: {  	_ =	shalt  }
0x5e: {  	_ =	shalt  }
0x5f: {  	_ =	shalt  }
0x60: {  	_ =	shalt  }
0x61: {  	_ =	shalt  }
0x62: {  	_ =	shalt  }
0x63: {  	_ =	shalt  }
0x64: {  	_ =	shalt  }
0x65: {  	_ =	shalt  }
0x66: {  	_ =	shalt  }
0x67: {  	_ =	shalt  }
0x68: {  	_ =	shalt  }
0x69: {  	_ =	shalt  }
0x6a: {  	_ =	shalt  }
0x6b: {  	_ =	shalt  }
0x6c: {  	_ =	shalt  }
0x6d: {  	_ =	shalt  }
0x6e: {  	_ =	shalt  }
0x6f: {  	_ =	shalt  }
0x70: {  	_ =	shalt  }
0x71: {  	_ =	shalt  }
0x72: {  	_ =	shalt  }
0x73: {  	_ =	shalt  }
0x74: {  	_ =	shalt  }
0x75: {  	_ =	shalt  }
0x76: {  	_ =	shalt  }
0x77: {  	_ =	shalt  }
0x78: {  	_ =	shalt  }
0x79: {  	_ =	shalt  }
0x7a: {  	_ =	shalt  }
0x7b: {  	_ =	shalt  }
0x7c: {  	_ =	shalt  }
0x7d: {  	_ =	shalt  }
0x7e: {  	_ =	shalt  }
0x7f: {  	_ =	shalt  }
0x80: {  	_ =	shalt  }
0x81: {  	_ =	shalt  }
0x82: {  	_ =	shalt  }
0x83: {  	_ =	shalt  }
0x84: {  	_ =	shalt  }
0x85: {  	_ =	shalt  }
0x86: {  	_ =	shalt  }
0x87: {  	_ =	shalt  }
.Lfunc_end0:
.L_simem_size_0:
called_computation.2_lowered:
.L_overlay_start_0:
0x88: {  	s2 =	sld [smem:$0x3FD9]  }
0x89: {  	s3 =	sld [smem:$0x3FFE];
	_ =	sdelay $0x1  }
0x8a: {  	s1 =	srdreg.scid  }
0x8b: {  	s0 =	sand.u32 $0x1, s1  }
0x8c: {  	s17 =	sshll.u32 s0, $0xA;
	s2 =	sadd.s32 s3, s2  }
0x8d: {  	s2 =	sadd.s32 s2, s17  }
0x8e: {  	[smem:$0x3FC6] =	sst s2  }
0x8f: {  	_ = 	snop  }
0x90: {  	s2 =	sld [smem:$0x3FD0];
	(tm) =	ssettm $0x1  }
0x91: {  	s18 =	sld [smem:$0x3FFB];
	_ =	sdelay $0x3  }
0x92: {  	_ =	strace s18  }
0x93: {  	s3 =	sld [smem:$0x3FFC];
	_ =	sdelay $0x3  }
0x94: {  	_ =	strace s3  }
0x95: {  	s3 =	sld [smem:$0x3FFD];
	_ =	sdelay $0x3  }
0x96: {  	_ =	strace s3  }
0x97: {  	_ =	strace $0x8FFFFFFF  }
0x98: {  	s19 =	sld [smem:$0x3FDB];
	_ =	sdelay $0x1  }
0x99: {  	s4 =	simm.s32 $_scs_section_size  }
0x9a: {  	s5 =	simm.s32 $_size__tile_overlayer_lowered;
	s6 =	simm.s32 $_tile_overlayer_lowered  }
0x9b: {  	s22 =	simm.s32 $0x1BFF;
	s21 =	sshll.u32 s6, $0x1;
	s3 =	sadd.s32 s4, s19  }
0x9c: {  	s7 =	simm.s32 $0x0;
	s20 =	sshll.u32 s5, $0x1;
	s5 =	sadd.s32 s21, s3  }
0x9d: {  	[timem:s7], [sflag:s22] =	dma.local [hbm:s5], s20  }
0x9e: {  	_ =	swait.ge [sflag:s22], s20  }
0x9f: {  	s4 =	ssub.s32 $0x0, s20;
	[sflag:s22] =	ssyncset.done $0x0  }
0xa0: {  	[sflag:s22] =	ssyncadd.s32 s4;
	_ =	sdelay $0x1  }
0xa1: {  	s23 =	simm.s32 $0x1B8B  }
0xa2: {  	_ =	swait.ge [sflag:s23], $0x1  }
0xa3: {  	[sflag:s23] =	ssyncset.done $0x0  }
0xa4: {  	s25 =	simm.s32 $0x1B8E;
	s24 =	sld [smem:$0x3FFE];
	[sflag:s23] =	ssyncadd.s32 $0xFFFFFFFF  }
0xa5: {  	s26 =	simm.s32 $execute0_lowered;
	[smem:$0x3FD2] =	sst s25  }
0xa6: {  	s5 =	sshll.u32 s26, $0x1;
	_ =	strace $0x8000004C;
	[dreg:$0x1] =	wrdreg $0xFFFFFFFF  }
0xa7: {  	s28 =	simm.s32 $_size_execute0_lowered;
	s3 =	sadd.s32 s3, s5;
	[dreg:$0x0] =	wrdreg $0x0  }
0xa8: {  	s5 =	sshll.u32 s28, $0x1;
	[dreg:$0x2] =	wrdreg s3  }
0xa9: {  	[dreg:$0x3] =	wrdreg s5  }
0xaa: {  	[dreg:$0x4] =	wrdreg $0xC0  }
0xab: {  	_ =	task [dreg:s7], $0x5FFFF  }
0xac: {  	[dreg:$0x1] =	wrdreg $0xFFFFFFFF  }
0xad: {  	[dreg:$0x0] =	wrdreg $0x60  }
0xae: {  	[dreg:$0x2] =	wrdreg s2  }
0xaf: {  	[dreg:$0x3] =	wrdreg s24  }
0xb0: {  	[dreg:$0x4] =	wrdreg $0x9  }
0xb1: {  	_ =	task.clear_ibuf [dreg:s7], $0x5FFFF;
	_ =	strace $0x9000004C  }
0xb2: {  	s29 =	simm.s32 $0x9;
	_ =	strace $0x8000004E  }
0xb3: {  	_ =	swait.ge [sflag:s29], $0x1  }
0xb4: {  	[sflag:s29] =	ssyncadd.s32 $0xFFFFFFFF  }
0xb5: {  	_ =	strace $0x9000004E  }
0xb6: {  	_ =	sfence  }
0xb7: {  	s30 =	sld [smem:$0x0];
	_ =	sdelay $0x2  }
0xb8: {  	s31 =	sshll.u32 s1, $0xD;
	s1 =	sshrl.u32 s1, $0x2  }
0xb9: {  	s3 =	sand.u32 $0x4000, s31;
	s1 =	sadd.s32 s1, s30  }
0xba: {  	s0 =	sor.u32 s3, s0;
	s1 =	sshll.u32 s1, $0x11  }
0xbb: {  	s0 =	sor.u32 s1, s0  }
0xbc: {  	s0 =	sadd.s32 $0x8F2B, s0  }
0xbd: {  	[sflag:s0] =	ssyncadd.remote.s32 $0x1  }
0xbe: {  	_ =	sfence.sel $0xFFFF  }
0xbf: {  	[dreg:$0x0] =	wrdreg $0xFFFFFFFF;
	(pc) =	sbr.abs _section_cstart, $3  }
0xc0: {  	[dreg:$0x1] =	wrdreg $0xFFFFFFFF  }
0xc1: {  	_ =	task.clear_ibuf [dreg:s7], $0x2FFFF;
	_ =	strace $0x9FFFFFFF  }
0xc2: {  	(tm) =	ssettm $0x7FFFFFFF  }
0xc3: {  	_ =	shalt  }
tec
execute0_lowered:
.L_overlay_start_1:
0x0: {  	(tag) =	ssettag $0x1  }
0x1: {  	s2 =	rddreg [dreg:$0x0]  }
0x2: {  	s1 =	srdreg.scid;
	s0 =	stileid.u32  }
0x3: {  	s6 =	rddreg [dreg:$0x1];
	s3 =	simm.s32 $0x0;
	s12 =	simm.s32 $0x4000  }
0x4: {  	s13 =	simm.s32 $0xC000;
	s14 =	simm.s32 $0x10000;
	s15 =	simm.s32 $0x1  }
0x5: {  	s16 =	simm.s32 $0x8000;
	s17 =	simm.s32 $0x2;
	s18 =	simm.s32 $0x14000  }
0x6: {  	s19 =	simm.s32 $0x3;
	s20 =	simm.s32 $0x4;
	s21 =	simm.s32 $0x0  }
0x7: {  	s4 =	sand.u32 $0x1, s1;
	s5 =	sshll.u32 s0, $0x1;
	s1 =	rddreg [dreg:$0x2]  }
0x8: {  	[smem:$0x7FF] =	sst s3;
	s5 =	sor.u32 s4, s5;
	s7 =	ssub.s32 $0x2, s4  }
0x9: {  	_ =	strace $0x8000004D;
	s4 =	smul.u32 $0x68000, s5;
	s8 =	sshrl.u32 s7, $0x1  }
0xa: {  	s5 =	sadd.s32 $0xC00, s6;
	s6 =	sadd.s32 $0x800C00, s6;
	s11 =	ssub.s32 s7, s8  }
0xb: {  	s31 =	sshrl.u32 s4, $0x3;
	s9 =	sor.u32 $0x4000, s4;
	s10 =	sadd.s32 $0x8000, s4  }
0xc: {  	s11 =	smax.u32 s11, $0x1;
	s7 =	sadd.s32 s2, s31;
	s8 =	sadd.s32 s5, s31  }
.LBB2_1:
0xd: {  	[tilespmem:s3], [sflag:$0x1] =	stream.linear.gather [hbm4b:s7+s3], $0x4000, $0x38;
	[tilespmem:$0x18000] =	vst v63  }
0xe: {  	s22 =	simm.s32 $0x0  }
0xf: {  	[tilespmem:s12], [sflag:$0x1] =	stream.linear.gather [hbm4b:s8+s3], $0x4000, $0x38;
	[tilespmem:$0x18000] =	vst v63  }
.LBB2_2:
0x10: {  	s24 =	sshll.u32 s22, $0xF  }
0x11: {  	s23 =	sadd.s32 s24, s9  }
0x12: {  	s23 =	sshrl.u32 s23, $0x3  }
0x13: {  	s25 =	sadd.s32 s2, s23  }
0x14: {  	[tilespmem:s13], [sflag:$0x2] =	stream.linear.gather [hbm4b:s25+s3], $0x4000, $0x38;
	[tilespmem:$0x18000] =	vst v63  }
0x15: {  	s31 =	sadd.s32 s5, s23  }
0x16: {  	[tilespmem:s14], [sflag:$0x2] =	stream.linear.gather [hbm4b:s31+s3], $0x4000, $0x38;
	[tilespmem:$0x18000] =	vst v63  }
0x17: {  	_ =	swait.ge [sflag:s15], $0x4000  }
0x18: {  	[sflag:s15] =	ssyncset.done $0x0  }
0x19: {  	[sflag:s15] =	ssyncadd.s32 $0xFFFFC000  }
0x1a: {  	_ =	swait.ge [sflag:s15], $0x4000  }
0x1b: {  	p0 =	seq.s32 s22, $0x0;
	[sflag:s15] =	ssyncset.done $0x0  }
0x1c: {  	s25 =	simm.s32 @!p0 $0x3;
	[sflag:s15] =	ssyncadd.s32 $0xFFFFC000  }
0x1d: {  	_ =	swait.ge @!p0 [sflag:s25], $0x4000  }
0x1e: {  	[sflag:s25] =	ssyncset.done @!p0 $0x0  }
0x1f: {  	s30 =	simm.s32 $0x40;
	[sflag:s25] =	ssyncadd.s32 @!p0 $0xFFFFC000  }
0x20: {  	s25 =	simm.s32 $0x4040;
	v1 =	vld [tilespmem:s30+$0x30]  }
0x21: {  	v2 =	vld [tilespmem:s25+$0x30]  }
0x22: {  	v0 =	vld [tilespmem:s25+$0xFFFFFFC0]  }
0x23: {  	v3 =	vld [tilespmem:s30+$0xFFFFFFD0]  }
0x24: {  	v4 =	vld [tilespmem:s25+$0xFFFFFFD0]  }
0x25: {  	v5 =	vld [tilespmem:s30+$0xFFFFFFE0]  }
0x26: {  	v6 =	vld [tilespmem:s25+$0xFFFFFFE0]  }
0x27: {  	v7 =	vld [tilespmem:s30+$0xFFFFFFF0]  }
0x28: {  	v8 =	vld [tilespmem:s25+$0xFFFFFFF0]  }
0x29: {  	v9 =	vld [tilespmem:s30+$0x0]  }
0x2a: {  	v10 =	vld [tilespmem:s25+$0x0];
	v2 =	vmul.f32 v2, v1  }
0x2b: {  	s26 =	simm.s32 $0x8040;
	v4 =	vmul.f32 v4, v3;
	v1 =	vld [tilespmem:s30+$0x10]  }
0x2c: {  	v5 =	vmul.f32 v6, v5;
	v3 =	vld [tilespmem:s25+$0x10];
	[tilespmem:s26+$0x30] =	vst v2  }
0x2d: {  	v6 =	vmul.f32 v8, v7;
	[tilespmem:s26+$0xFFFFFFD0] =	vst v4;
	v2 =	vld [tilespmem:s30+$0x20]  }
0x2e: {  	[tilespmem:s26+$0xFFFFFFE0] =	vst v5;
	v4 =	vld [tilespmem:s25+$0x20]  }
0x2f: {  	s29 =	simm.s32 $0x0;
	s28 =	sadd.s32 s4, s24;
	v5 =	vld [tilespmem:s30+$0xFFFFFFC0];
	[tilespmem:s26+$0xFFFFFFF0] =	vst v6;
	v6 =	vmul.f32 v10, v9;
	s30 =	simm.s32 $0xC0  }
.LBB2_3:
0x30: {  	v7 =	vld [tilespmem:s30+$0x30];
	s25 =	sadd.s32 $0x80, s25  }
0x31: {  	s29 =	sadd.s32 $0x8, s29;
	v8 =	vld [tilespmem:s25+$0x30];
	[tilespmem:s26+$0x0] =	vst v6;
	v1 =	vmul.f32 v3, v1  }
0x32: {  	p1 =	slt.u32 s29, $0x3F8;
	v3 =	vld [tilespmem:s25+$0xFFFFFFC0]  }
0x33: {  	v6 =	vld [tilespmem:s30+$0xFFFFFFD0];
	[tilespmem:s26+$0x10] =	vst v1;
	v1 =	vmul.f32 v4, v2  }
0x34: {  	v2 =	vld [tilespmem:s25+$0xFFFFFFD0];
	v9 =	vmul.f32 v0, v5  }
0x35: {  	v4 =	vld [tilespmem:s30+$0xFFFFFFE0];
	[tilespmem:s26+$0x20] =	vst v1  }
0x36: {  	v1 =	vld [tilespmem:s25+$0xFFFFFFE0];
	v5 =	vmul.f32 v8, v7;
	[tilespmem:s26+$0xFFFFFFC0] =	vst v9  }
0x37: {  	s26 =	sadd.s32 $0x80, s26;
	v7 =	vld [tilespmem:s30+$0xFFFFFFF0];
	v0 =	vmov v3  }
0x38: {  	v8 =	vld [tilespmem:s25+$0xFFFFFFF0];
	[tilespmem:s26+$0x30] =	vst v5  }
0x39: {  	v2 =	vmul.f32 v2, v6;
	v6 =	vld [tilespmem:s30+$0x0]  }
0x3a: {  	v9 =	vld [tilespmem:s25+$0x0]  }
.Ltmp0:
0x3b: {  	[tilespmem:s26+$0xFFFFFFD0] =	vst v2;
	v2 =	vmul.f32 v1, v4;
	v1 =	vld [tilespmem:s30+$0x10];
	(pc) =	sbr.rel @p1 .LBB2_3-.Ltmp0, $4  }
0x3c: {  	v3 =	vld [tilespmem:s25+$0x10]  }
0x3d: {  	[tilespmem:s26+$0xFFFFFFE0] =	vst v2;
	v7 =	vmul.f32 v8, v7;
	v2 =	vld [tilespmem:s30+$0x20]  }
0x3e: {  	v4 =	vld [tilespmem:s25+$0x20]  }
0x3f: {  	v5 =	vld [tilespmem:s30+$0xFFFFFFC0];
	[tilespmem:s26+$0xFFFFFFF0] =	vst v7;
	v6 =	vmul.f32 v9, v6;
	s30 =	sadd.s32 $0x80, s30  }
0x40: {  	_ =	sdelay $0x1  }
0x41: {  	v1 =	vmul.f32 v3, v1  }
0x42: {  	[tilespmem:s26+$0x0] =	vst v6;
	v2 =	vmul.f32 v4, v2  }
0x43: {  	p1 =	seq.s32 s22, $0xC;
	[tilespmem:s26+$0x10] =	vst v1;
	v0 =	vmul.f32 v0, v5  }
0x44: {  	s25 =	sshrl.u32 s28, $0x3;
	s24 =	sadd.s32 @!p1 s24, s10;
	[tilespmem:s26+$0x20] =	vst v2  }
0x45: {  	s25 =	sadd.s32 s6, s25;
	s24 =	sshrl.u32 @!p1 s24, $0x3;
	[tilespmem:s26+$0xFFFFFFC0] =	vst v0  }
0x46: {  	[hbm4b:s25+s3] =	stream.linear.scatter [tilespmem:s16], [sflag:$0x3], $0x4000, $0x38;
	[tilespmem:$0x18000] =	vst v63  }
0x47: {  	s26 =	simm.s32 @!p1 $0x0;
	s25 =	sadd.s32 @!p1 s2, s24  }
0x48: {  	[tilespmem:s26], [sflag:$0x1] =	stream.linear.gather @!p1 [hbm4b:s25+s26], $0x4000, $0x38;
	[tilespmem:$0x18000] =	vst v63  }
0x49: {  	s24 =	sadd.s32 @!p1 s5, s24;
	s25 =	simm.s32 @!p1 $0x4000  }
0x4a: {  	[tilespmem:s25], [sflag:$0x1] =	stream.linear.gather @!p1 [hbm4b:s24+s26], $0x4000, $0x38;
	[tilespmem:$0x18000] =	vst v63  }
0x4b: {  	_ =	swait.ge [sflag:s17], $0x4000  }
0x4c: {  	[sflag:s17] =	ssyncset.done $0x0  }
0x4d: {  	[sflag:s17] =	ssyncadd.s32 $0xFFFFC000  }
0x4e: {  	_ =	swait.ge [sflag:s17], $0x4000  }
0x4f: {  	[sflag:s17] =	ssyncset.done $0x0  }
0x50: {  	s24 =	simm.s32 @!p0 $0x4;
	[sflag:s17] =	ssyncadd.s32 $0xFFFFC000  }
0x51: {  	_ =	swait.ge @!p0 [sflag:s24], $0x4000  }
0x52: {  	[sflag:s24] =	ssyncset.done @!p0 $0x0  }
0x53: {  	s28 =	simm.s32 $0xC040;
	[sflag:s24] =	ssyncadd.s32 @!p0 $0xFFFFC000  }
0x54: {  	s24 =	simm.s32 $0x10040;
	v1 =	vld [tilespmem:s28+$0x30]  }
0x55: {  	v2 =	vld [tilespmem:s24+$0x30]  }
0x56: {  	v0 =	vld [tilespmem:s24+$0xFFFFFFC0]  }
0x57: {  	v3 =	vld [tilespmem:s28+$0xFFFFFFD0]  }
0x58: {  	v4 =	vld [tilespmem:s24+$0xFFFFFFD0]  }
0x59: {  	v5 =	vld [tilespmem:s28+$0xFFFFFFE0]  }
0x5a: {  	v6 =	vld [tilespmem:s24+$0xFFFFFFE0]  }
0x5b: {  	v7 =	vld [tilespmem:s28+$0xFFFFFFF0]  }
0x5c: {  	v8 =	vld [tilespmem:s24+$0xFFFFFFF0]  }
0x5d: {  	v9 =	vld [tilespmem:s28+$0x0]  }
0x5e: {  	v10 =	vld [tilespmem:s24+$0x0];
	v2 =	vmul.f32 v2, v1  }
0x5f: {  	s25 =	simm.s32 $0x14040;
	v4 =	vmul.f32 v4, v3;
	v1 =	vld [tilespmem:s28+$0x10]  }
0x60: {  	v5 =	vmul.f32 v6, v5;
	v3 =	vld [tilespmem:s24+$0x10];
	[tilespmem:s25+$0x30] =	vst v2  }
0x61: {  	v6 =	vmul.f32 v8, v7;
	[tilespmem:s25+$0xFFFFFFD0] =	vst v4;
	v2 =	vld [tilespmem:s28+$0x20]  }
0x62: {  	[tilespmem:s25+$0xFFFFFFE0] =	vst v5;
	v5 =	vld [tilespmem:s24+$0x20]  }
0x63: {  	s26 =	simm.s32 $0x0;
	v4 =	vld [tilespmem:s28+$0xFFFFFFC0];
	[tilespmem:s25+$0xFFFFFFF0] =	vst v6;
	v6 =	vmul.f32 v10, v9;
	s28 =	simm.s32 $0xC0C0  }
.LBB2_5:
0x64: {  	v7 =	vld [tilespmem:s28+$0x30];
	s24 =	sadd.s32 $0x80, s24  }
0x65: {  	s26 =	sadd.s32 $0x8, s26;
	v8 =	vld [tilespmem:s24+$0x30];
	[tilespmem:s25+$0x0] =	vst v6;
	v1 =	vmul.f32 v3, v1  }
0x66: {  	p0 =	slt.u32 s26, $0x3F8;
	v3 =	vld [tilespmem:s24+$0xFFFFFFC0]  }
0x67: {  	v6 =	vld [tilespmem:s28+$0xFFFFFFD0];
	[tilespmem:s25+$0x10] =	vst v1;
	v1 =	vmul.f32 v5, v2  }
0x68: {  	v2 =	vld [tilespmem:s24+$0xFFFFFFD0];
	v9 =	vmul.f32 v0, v4  }
0x69: {  	v4 =	vld [tilespmem:s28+$0xFFFFFFE0];
	[tilespmem:s25+$0x20] =	vst v1  }
0x6a: {  	v1 =	vld [tilespmem:s24+$0xFFFFFFE0];
	v5 =	vmul.f32 v8, v7;
	[tilespmem:s25+$0xFFFFFFC0] =	vst v9  }
0x6b: {  	s25 =	sadd.s32 $0x80, s25;
	v7 =	vld [tilespmem:s28+$0xFFFFFFF0];
	v0 =	vmov v3  }
0x6c: {  	v8 =	vld [tilespmem:s24+$0xFFFFFFF0];
	[tilespmem:s25+$0x30] =	vst v5  }
0x6d: {  	v2 =	vmul.f32 v2, v6;
	v6 =	vld [tilespmem:s28+$0x0]  }
0x6e: {  	v9 =	vld [tilespmem:s24+$0x0]  }
.Ltmp1:
0x6f: {  	[tilespmem:s25+$0xFFFFFFD0] =	vst v2;
	v2 =	vmul.f32 v1, v4;
	v1 =	vld [tilespmem:s28+$0x10];
	(pc) =	sbr.rel @p0 .LBB2_5-.Ltmp1, $4  }
0x70: {  	v3 =	vld [tilespmem:s24+$0x10]  }
0x71: {  	[tilespmem:s25+$0xFFFFFFE0] =	vst v2;
	v7 =	vmul.f32 v8, v7;
	v2 =	vld [tilespmem:s28+$0x20]  }
0x72: {  	v5 =	vld [tilespmem:s24+$0x20]  }
0x73: {  	v4 =	vld [tilespmem:s28+$0xFFFFFFC0];
	[tilespmem:s25+$0xFFFFFFF0] =	vst v7;
	v6 =	vmul.f32 v9, v6;
	s28 =	sadd.s32 $0x80, s28  }
0x74: {  	_ = 	snop  }
0x75: {  	s22 =	sadd.s32 $0x1, s22  }
0x76: {  	v1 =	vmul.f32 v3, v1;
	p0 =	sne.s32 s22, $0xD  }
.Ltmp2:
0x77: {  	[tilespmem:s25+$0x0] =	vst v6;
	v2 =	vmul.f32 v5, v2;
	(pc) =	sbr.rel @p0 .LBB2_2-.Ltmp2, $4  }
0x78: {  	[tilespmem:s25+$0x10] =	vst v1;
	v0 =	vmul.f32 v0, v4  }
0x79: {  	[tilespmem:s25+$0x20] =	vst v2  }
0x7a: {  	s23 =	sadd.s32 s6, s23;
	[tilespmem:s25+$0xFFFFFFC0] =	vst v0  }
0x7b: {  	[hbm4b:s23+s3] =	stream.linear.scatter [tilespmem:s18], [sflag:$0x4], $0x4000, $0x38;
	[tilespmem:$0x18000] =	vst v63  }
0x7c: {  	s21 =	sadd.s32 $0x1, s21  }
0x7d: {  	_ =	swait.ge [sflag:s19], $0x4000;
	p0 =	sne.s32 s21, s11  }
.Ltmp3:
0x7e: {  	[sflag:s19] =	ssyncset.done $0x0;
	(pc) =	sbr.rel @p0 .LBB2_1-.Ltmp3, $4  }
0x7f: {  	[sflag:s19] =	ssyncadd.s32 $0xFFFFC000  }
0x80: {  	_ =	swait.ge [sflag:s20], $0x4000  }
0x81: {  	[sflag:s20] =	ssyncset.done $0x0  }
0x82: {  	[sflag:s20] =	ssyncadd.s32 $0xFFFFC000  }
0x83: {  	_ =	sfence.sel $0x180000  }
0x84: {  	[bflag:$0x0] =	sbarrier.arrive $0xFFFF  }
0x85: {  	p0 =	sne.s32 s0, $0x0;
	_ =	strace $0x9000004D  }
0x86: {  	s0 =	sadd.s32 @!p0 $0x100000, s1;
	[bflag:$0x2] =	sbarrier.arrive $0xFFFF  }
0x87: {  	[sflag:s0] =	ssyncadd.tile.s32 @!p0 $0x1;
	_ =	shalt  }
.Lfunc_end2:
_tile_overlayer_lowered:
.L_overlay_start_2:
0x88: {  	(tag) =	ssettag $0x2  }
0x89: {  	s0 =	rddreg [dreg:$0x0];
	s2 =	stileid.u32  }
0x8a: {  	s1 =	rddreg [dreg:$0x1];
	p0 =	sne.s32 s2, $0x0  }
0x8b: {  	s3 =	rddreg [dreg:$0x2];
	[bflag:$0x3] =	sbarrier.arrive $0xFFFF;
	s2 =	simm.s32 @!p0 $0x1C05  }
0x8c: {  	[timem:s3], [sflag:s2] =	dma.local @!p0 [hbm:s0], s1  }
0x8d: {  	s0 =	simm.s32 @!p0 $0x5  }
0x8e: {  	_ =	swait.ge @!p0 [sflag:s0], s1  }
0x8f: {  	s1 =	ssub.s32 @!p0 $0x0, s1;
	[sflag:s0] =	ssyncset.done @!p0 $0x0  }
0x90: {  	[sflag:s0] =	ssyncadd.s32 @!p0 s1  }
0x91: {  	[bflag:$0x3] =	sbarrier.arrive $0xFFFF  }
0x92: {  	_ =	shalt  }

// kernel: sparse-core-data-format-call.1.cloned.1.call-start
scs
called_computation.1_lowered:
.L_overlay_start_0:
0x0: {  	s2 =	sld [smem:$0x3FD9]  }
0x1: {  	s3 =	sld [smem:$0x3FFE];
	_ =	sdelay $0x1  }
0x2: {  	s1 =	srdreg.scid  }
0x3: {  	s0 =	sand.u32 $0x1, s1  }
0x4: {  	s19 =	sshll.u32 s0, $0xA;
	s2 =	sadd.s32 s3, s2  }
0x5: {  	s2 =	sadd.s32 s2, s19  }
0x6: {  	[smem:$0x3FC6] =	sst s2  }
0x7: {  	_ = 	snop  }
0x8: {  	s20 =	sld [smem:$0x3FC9]  }
0x9: {  	s4 =	sld [smem:$0x3FD0];
	(tm) =	ssettm $0x1  }
0xa: {  	s21 =	sld [smem:$0x3FFB];
	_ =	sdelay $0x3  }
0xb: {  	_ =	strace s21  }
0xc: {  	s2 =	sld [smem:$0x3FFC];
	_ =	sdelay $0x3  }
0xd: {  	_ =	strace s2  }
0xe: {  	s2 =	sld [smem:$0x3FFD];
	_ =	sdelay $0x3  }
0xf: {  	_ =	strace s2  }
0x10: {  	_ =	strace $0x8FFFFFFF  }
0x11: {  	s22 =	sld [smem:$0x3FDB];
	_ =	sdelay $0x1  }
0x12: {  	s5 =	simm.s32 $_scs_section_size  }
0x13: {  	s6 =	simm.s32 $_size__tile_overlayer_lowered;
	s7 =	simm.s32 $_tile_overlayer_lowered  }
0x14: {  	s8 =	simm.s32 $0x1BFF;
	s23 =	sshll.u32 s7, $0x1;
	s5 =	sadd.s32 s5, s22  }
0x15: {  	s24 =	simm.s32 $0x0;
	s6 =	sshll.u32 s6, $0x1;
	s7 =	sadd.s32 s23, s5  }
0x16: {  	[timem:s24], [sflag:s8] =	dma.local [hbm:s7], s6  }
0x17: {  	_ =	swait.ge [sflag:s8], s6  }
0x18: {  	s6 =	ssub.s32 $0x0, s6;
	[sflag:s8] =	ssyncset.done $0x0  }
0x19: {  	[sflag:s8] =	ssyncadd.s32 s6;
	_ =	sdelay $0x1  }
0x1a: {  	s25 =	simm.s32 $0x1B8B  }
0x1b: {  	_ =	swait.ge [sflag:s25], $0x1  }
0x1c: {  	[sflag:s25] =	ssyncset.done $0x0  }
0x1d: {  	[sflag:s25] =	ssyncadd.s32 $0xFFFFFFFF  }
0x1e: {  	s6 =	sld [smem:$0x0]  }
0x1f: {  	s7 =	sand.u32 $0xFFFFFFFE, s1  }
0x20: {  	p0 =	sne.s32 s1, s7  }
0x21: {  	s7 =	sshll.u32 @p0 s7, $0xE  }
0x22: {  	s7 =	sadd.s32 @p0 $0x11B8D, s7;
	s8 =	sshll.u32 @p0 s6, $0x11  }
0x23: {  	s7 =	sor.u32 @p0 s8, s7  }
0x24: {  	[sflag:s7] =	ssyncadd.remote.s32 @p0 $0x1;
	_ =	sdelay $0x1  }
0x25: {  	s7 =	simm.s32 @p0 $0x1B8D  }
0x26: {  	_ =	swait.eq @p0 [sflag:s7], $0x1  }
0x27: {  	[sflag:s7] =	ssyncadd.s32 @p0 $0xFFFFFFFF  }
0x28: {  	s8 =	sshll.u32 @!p0 s1, $0xE  }
0x29: {  	s8 =	sor.u32 @!p0 $0x4000, s8;
	s7 =	simm.s32 @!p0 $0x1B8D  }
0x2a: {  	s6 =	sshll.u32 @!p0 s6, $0x11;
	s8 =	sadd.s32 @!p0 $0x11B8D, s8;
	_ =	swait.eq @!p0 [sflag:s7], $0x1  }
0x2b: {  	s6 =	sor.u32 @!p0 s6, s8;
	[sflag:s7] =	ssyncadd.s32 @!p0 $0xFFFFFFFF  }
0x2c: {  	s26 =	simm.s32 $0x1B8E;
	[sflag:s6] =	ssyncadd.remote.s32 @!p0 $0x1  }
0x2d: {  	s27 =	simm.s32 $execute0_lowered;
	[smem:$0x3FD2] =	sst s26  }
0x2e: {  	s6 =	sshll.u32 s27, $0x1;
	_ =	strace $0x80000049;
	[dreg:$0x1] =	wrdreg $0xFFFFFFFF  }
0x2f: {  	s28 =	simm.s32 $_size_execute0_lowered;
	s5 =	sadd.s32 s5, s6;
	[dreg:$0x0] =	wrdreg $0x0  }
0x30: {  	s6 =	sshll.u32 s28, $0x1;
	[dreg:$0x2] =	wrdreg s5  }
0x31: {  	[dreg:$0x3] =	wrdreg s6  }
0x32: {  	[dreg:$0x4] =	wrdreg $0xC0  }
0x33: {  	_ =	task [dreg:s24], $0x5FFFF  }
0x34: {  	[dreg:$0x1] =	wrdreg $0xFFFFFFFF  }
0x35: {  	[dreg:$0x0] =	wrdreg $0x60  }
0x36: {  	[dreg:$0x2] =	wrdreg s20  }
0x37: {  	[dreg:$0x3] =	wrdreg s4  }
0x38: {  	[dreg:$0x4] =	wrdreg $0xA  }
0x39: {  	_ =	task.clear_ibuf [dreg:s24], $0x5FFFF;
	_ =	strace $0x90000049  }
0x3a: {  	s29 =	simm.s32 $0xA;
	_ =	strace $0x8000004B  }
0x3b: {  	_ =	swait.ge [sflag:s29], $0x1  }
0x3c: {  	[sflag:s29] =	ssyncadd.s32 $0xFFFFFFFF  }
0x3d: {  	_ =	strace $0x9000004B  }
0x3e: {  	_ =	sfence  }
0x3f: {  	s30 =	sld [smem:$0x0];
	_ =	sdelay $0x2  }
0x40: {  	s31 =	sshll.u32 s1, $0xD;
	s1 =	sshrl.u32 s1, $0x2  }
0x41: {  	s4 =	sand.u32 $0x4000, s31;
	s1 =	sadd.s32 s1, s30  }
0x42: {  	s0 =	sor.u32 s4, s0;
	s1 =	sshll.u32 s1, $0x11  }
0x43: {  	s0 =	sor.u32 s1, s0  }
0x44: {  	s0 =	sadd.s32 $0x8F2B, s0  }
0x45: {  	[sflag:s0] =	ssyncadd.remote.s32 $0x1  }
0x46: {  	_ =	sfence.sel $0xFFFF  }
0x47: {  	[dreg:$0x0] =	wrdreg $0xFFFFFFFF;
	(pc) =	sbr.abs _section_cstart, $3  }
0x48: {  	[dreg:$0x1] =	wrdreg $0xFFFFFFFF  }
0x49: {  	_ =	task.clear_ibuf [dreg:s24], $0x2FFFF;
	_ =	strace $0x9FFFFFFF  }
0x4a: {  	(tm) =	ssettm $0x7FFFFFFF  }
0x4b: {  	_ =	shalt  }
tec
execute0_lowered:
.L_overlay_start_1:
0x0: {  	(tag) =	ssettag $0x1  }
0x1: {  	s2 =	rddreg [dreg:$0x0]  }
0x2: {  	s3 =	rddreg [dreg:$0x1]  }
0x3: {  	s0 =	rddreg [dreg:$0x2];
	_ =	strace $0x8000004A  }
0x4: {  	s4 =	srdreg.scid;
	s1 =	stileid.u32;
	s6 =	simm.s32 $0x2  }
.Ltmp0:
0x5: {  	s11 =	simm.s32 $0x0;
	p0 =	por $0x0, $0x0;
	(pc) =	sbr.rel .LBB1_1-.Ltmp0, $4  }
0x6: {  	s7 =	simm.s32 $0x1000;
	s12 =	simm.s32 $0x0;
	s5 =	sshll.u32 s4, $0x4  }
0x7: {  	s9 =	simm.s32 $0x0;
	s4 =	simm.s32 $0x1;
	s5 =	sand.u32 $0x10, s5  }
0x8: {  	s8 =	simm.s32 $0x0;
	[sflag:s4] =	ssyncpa.u1 $0x0;
	s5 =	sor.u32 s1, s5  }
0x9: {  	[sflag:s6] =	ssyncpa.u1 $0x0;
	s6 =	simm.s32 $0x800;
	s10 =	smov.u32 s5  }
.LBB1_7:
0xa: {  	s13 =	sadd.s32 $0x10, s9  }
0xb: {  	s11 =	sadd.s32 $0x20, s10;
	s15 =	smov.u32 s10;
	p2 =	sgt.s32 s13, $0x1F  }
0xc: {  	p1 =	slt.u32 s8, $0x2;
	s15 =	smov.u32 @p2 s11  }
0xd: {  	s8 =	sadd.s32 $0x1, s8;
	s13 =	simm.s32 @p2 $0x0;
	p2 =	sgt.s32 s15, $0x7FF  }
0xe: {  	s15 =	smov.u32 @p2 s5;
	p2 =	sne.s32 s8, $0x82  }
.Ltmp1:
0xf: {  	_ = 	snop;
	(pc) =	sbr.rel @!p2 .LBB1_8-.Ltmp1, $4  }
0x10: {  	s14 =	simm.s32 @!p1 $0x2  }
0x11: {  	s12 =	smov.u32 s10;
	_ =	swait.ge @!p1 [sflag:s14], $0x4000  }
0x12: {  	p0 =	por !p0, !p0;
	s11 =	smov.u32 s9;
	[sflag:s14] =	ssyncset.done @!p1 $0x0  }
0x13: {  	s9 =	smov.u32 s13;
	[sflag:s14] =	ssyncadd.s32 @!p1 $0xFFFFC000;
	s10 =	smov.u32 s15  }
.LBB1_1:
0x14: {  	p1 =	sgt.u32 s8, $0x7F  }
0x15: {  	s13 =	sxor.u32 @!p1 $0xFFFFFFFF, s8;
	s14 =	sshll.u32 @!p1 s10, $0xC  }
0x16: {  	s15 =	sshll.u32 @!p1 s9, $0x7;
	s13 =	sshll.u32 @!p1 s13, $0xE;
	s14 =	sadd.s32 @!p1 s2, s14  }
0x17: {  	s13 =	sand.u32 @!p1 $0x4000, s13;
	s14 =	sadd.s32 @!p1 s15, s14;
	s15 =	simm.s32 @!p1 $0x0  }
0x18: {  	[tilespmem:s13], [sflag:$0x1] =	stream.linear.gather @!p1 [hbm4b:s14+s15], $0x4000, $0x38;
	[tilespmem:$0x10000] =	vst v63  }
0x19: {  	p1 =	seq.s32 s8, $0x0  }
0x1a: {  	p2 =	seq.s32 @!p1 s8, $0x81  }
0x1b: {  	p1 =	por p1, p2  }
.Ltmp2:
0x1c: {  	_ = 	snop;
	(pc) =	sbr.rel @p1 .LBB1_7-.Ltmp2, $1  }
0x1d: {  	_ =	sdelay $0x3  }
0x1e: {  	s13 =	simm.s32 $0x1;
	_ =	swait.ge [sflag:s4], $0x4000;
	s16 =	sshll.u32 s8, $0xE  }
0x1f: {  	s13 =	simm.s32 @!p0 $0x0;
	[sflag:s4] =	ssyncset.done $0x0;
	s31 =	sand.u32 $0x4000, s16  }
0x20: {  	s16 =	simm.s32 $0x0;
	s14 =	sshll.u32 s13, $0xE;
	[sflag:s4] =	ssyncadd.s32 $0xFFFFC000  }
0x21: {  	s13 =	sor.u32 $0x8040, s14;
	s15 =	sor.u32 $0x40, s14;
	s14 =	sor.u32 $0x8000, s31  }
.LBB1_3:
0x22: {  	v0 =	vmov s15;
	_ =	sdelay $0x3  }
0x23: {  	s18 =	simm.s32 $0x0  }
0x24: {  	v6 =	vld.idx.msk [tilespmem:v0+s18+$0x30 ss:$0x1], $0xffff  }
0x25: {  	v7 =	vld.idx.msk [tilespmem:v0+s18+$0xFFFFFFC0 ss:$0x1], $0xffff  }
0x26: {  	v5 =	vld.idx.msk [tilespmem:v0+s18+$0xFFFFFFD0 ss:$0x1], $0xffff  }
0x27: {  	v4 =	vld.idx.msk [tilespmem:v0+s18+$0xFFFFFFE0 ss:$0x1], $0xffff  }
0x28: {  	v3 =	vld.idx.msk [tilespmem:v0+s18+$0xFFFFFFF0 ss:$0x1], $0xffff  }
0x29: {  	v1 =	vld.idx.msk [tilespmem:v0+s18+$0x0 ss:$0x1], $0xffff  }
0x2a: {  	v2 =	vld.idx.msk [tilespmem:v0+s18+$0x10 ss:$0x1], $0xffff;
	[tilespmem:s13+$0x30] =	vst v6  }
0x2b: {  	s17 =	simm.s32 $0x80;
	s19 =	simm.s32 $0x400;
	[tilespmem:s13+$0xFFFFFFC0] =	vst v7;
	v6 =	vld.idx.msk [tilespmem:v0+s18+$0x20 ss:$0x1], $0xffff;
	s18 =	smov.u32 s13  }
.LBB1_4:
0x2c: {  	p1 =	sne.s32 s19, $0xE00;
	v7 =	vld.idx.msk [tilespmem:v0+s17+$0x30 ss:$0x1], $0xffff;
	[tilespmem:s18+$0xFFFFFFD0] =	vst v5  }
0x2d: {  	v8 =	vld.idx.msk [tilespmem:v0+s17+$0xFFFFFFC0 ss:$0x1], $0xffff;
	[tilespmem:s18+$0xFFFFFFE0] =	vst v4  }
0x2e: {  	v5 =	vld.idx.msk [tilespmem:v0+s17+$0xFFFFFFD0 ss:$0x1], $0xffff;
	[tilespmem:s18+$0xFFFFFFF0] =	vst v3  }
.Ltmp3:
0x2f: {  	v4 =	vld.idx.msk [tilespmem:v0+s17+$0xFFFFFFE0 ss:$0x1], $0xffff;
	[tilespmem:s18+$0x0] =	vst v1;
	(pc) =	sbr.rel @p1 .LBB1_4-.Ltmp3, $4  }
0x30: {  	v3 =	vld.idx.msk [tilespmem:v0+s17+$0xFFFFFFF0 ss:$0x1], $0xffff;
	[tilespmem:s18+$0x10] =	vst v2  }
0x31: {  	v1 =	vld.idx.msk [tilespmem:v0+s17+$0x0 ss:$0x1], $0xffff;
	[tilespmem:s18+$0x20] =	vst v6;
	s18 =	sadd.s32 $0x800, s18  }
0x32: {  	v2 =	vld.idx.msk [tilespmem:v0+s17+$0x10 ss:$0x1], $0xffff;
	[tilespmem:s18+$0x30] =	vst v7  }
0x33: {  	[tilespmem:s18+$0xFFFFFFC0] =	vst v8;
	v6 =	vld.idx.msk [tilespmem:v0+s17+$0x20 ss:$0x1], $0xffff;
	s17 =	sshra.s32 s19, $0x2;
	s19 =	sadd.s32 $0x200, s19  }
0x34: {  	_ =	sdelay $0x2  }
0x35: {  	[tilespmem:s18+$0xFFFFFFD0] =	vst v5  }
0x36: {  	v56 =	vld.idx.msk [tilespmem:v0+s17+$0x30 ss:$0x1], $0xffff;
	[tilespmem:s18+$0xFFFFFFE0] =	vst v4  }
0x37: {  	v57 =	vld.idx.msk [tilespmem:v0+s17+$0xFFFFFFC0 ss:$0x1], $0xffff;
	[tilespmem:s18+$0xFFFFFFF0] =	vst v3  }
0x38: {  	v58 =	vld.idx.msk [tilespmem:v0+s17+$0xFFFFFFD0 ss:$0x1], $0xffff;
	[tilespmem:s18+$0x0] =	vst v1  }
0x39: {  	v59 =	vld.idx.msk [tilespmem:v0+s17+$0xFFFFFFE0 ss:$0x1], $0xffff;
	[tilespmem:s18+$0x10] =	vst v2  }
0x3a: {  	v60 =	vld.idx.msk [tilespmem:v0+s17+$0xFFFFFFF0 ss:$0x1], $0xffff;
	s31 =	sadd.s32 $0x800, s18;
	[tilespmem:s18+$0x20] =	vst v6  }
0x3b: {  	v61 =	vld.idx.msk [tilespmem:v0+s17+$0x0 ss:$0x1], $0xffff;
	[tilespmem:s31+$0x30] =	vst v56  }
0x3c: {  	v62 =	vld.idx.msk [tilespmem:v0+s17+$0x10 ss:$0x1], $0xffff;
	s16 =	sadd.s32 $0x1, s16;
	[tilespmem:s31+$0xFFFFFFC0] =	vst v57  }
0x3d: {  	v63 =	vld.idx.msk [tilespmem:v0+s17+$0x20 ss:$0x1], $0xffff;
	p1 =	sne.s32 s16, $0x10;
	[tilespmem:s31+$0xFFFFFFD0] =	vst v58  }
.Ltmp4:
0x3e: {  	[tilespmem:s31+$0xFFFFFFE0] =	vst v59;
	(pc) =	sbr.rel @p1 .LBB1_3-.Ltmp4, $4  }
0x3f: {  	[tilespmem:s31+$0xFFFFFFF0] =	vst v60  }
0x40: {  	[tilespmem:s31+$0x0] =	vst v61  }
0x41: {  	[tilespmem:s31+$0x10] =	vst v62  }
0x42: {  	s13 =	sadd.s32 $0x80, s13;
	s15 =	sadd.s32 $0x400, s15;
	[tilespmem:s31+$0x20] =	vst v63  }
.Ltmp5:
0x43: {  	(pc) =	sbr.rel .LBB1_7-.Ltmp5, $4  }
0x44: {  	s12 =	sshll.u32 s12, $0xC;
	s11 =	sshll.u32 s11, $0x4  }
0x45: {  	s11 =	sand.u32 $0x1F0, s11;
	s12 =	sadd.s32 s3, s12  }
0x46: {  	s11 =	sadd.s32 s11, s12  }
0x47: {  	[hbm4b:s11+s6] =	stream.strided.scatter [tilespmem:s14], [sflag:$0x2], $0x4000, s7, s6, $0x38;
	[tilespmem:$0x10000] =	vst v63  }
.LBB1_8:
0x48: {  	_ =	sfence.sel $0x180000  }
0x49: {  	s2 =	simm.s32 $0x1;
	[bflag:$0x0] =	sbarrier.arrive $0xFFFF  }
0x4a: {  	s31 =	simm.s32 $0x2;
	[sflag:s2] =	ssyncpa.u1 $0x1  }
0x4b: {  	[sflag:s31] =	ssyncpa.u1 $0x1  }
0x4c: {  	p0 =	sne.s32 s1, $0x0;
	_ =	strace $0x9000004A  }
0x4d: {  	s0 =	sadd.s32 @!p0 $0x100000, s0;
	[bflag:$0x2] =	sbarrier.arrive $0xFFFF  }
0x4e: {  	[sflag:s0] =	ssyncadd.tile.s32 @!p0 $0x1;
	_ =	shalt  }
.Lfunc_end1:
_tile_overlayer_lowered:
.L_overlay_start_2:
0x4f: {  	(tag) =	ssettag $0x2  }
0x50: {  	s0 =	rddreg [dreg:$0x0];
	s2 =	stileid.u32  }
0x51: {  	s1 =	rddreg [dreg:$0x1];
	p0 =	sne.s32 s2, $0x0  }
0x52: {  	s3 =	rddreg [dreg:$0x2];
	[bflag:$0x3] =	sbarrier.arrive $0xFFFF;
	s2 =	simm.s32 @!p0 $0x1C01  }
0x53: {  	[timem:s3], [sflag:s2] =	dma.local @!p0 [hbm:s0], s1  }
0x54: {  	s0 =	simm.s32 @!p0 $0x1  }
0x55: {  	_ =	swait.ge @!p0 [sflag:s0], s1  }
0x56: {  	s1 =	ssub.s32 @!p0 $0x0, s1;
	[sflag:s0] =	ssyncset.done @!p0 $0x0  }
0x57: {  	[sflag:s0] =	ssyncadd.s32 @!p0 s1  }
0x58: {  	[bflag:$0x3] =	sbarrier.arrive $0xFFFF  }
0x59: {  	_ =	shalt  }

// kernel: sparse-core-data-format-call.cloned.1.call-start
scs
called_computation_lowered:
.L_overlay_start_0:
0x0: {  	s2 =	sld [smem:$0x3FD9]  }
0x1: {  	s3 =	sld [smem:$0x3FFE];
	_ =	sdelay $0x1  }
0x2: {  	s1 =	srdreg.scid  }
0x3: {  	s0 =	sand.u32 $0x1, s1  }
0x4: {  	s18 =	sshll.u32 s0, $0xA;
	s2 =	sadd.s32 s3, s2  }
0x5: {  	s2 =	sadd.s32 s2, s18  }
0x6: {  	[smem:$0x3FC6] =	sst s2  }
0x7: {  	_ = 	snop  }
0x8: {  	s2 =	sld [smem:$0x3FC8];
	(tm) =	ssettm $0x1  }
0x9: {  	s19 =	sld [smem:$0x3FFB];
	_ =	sdelay $0x3  }
0xa: {  	_ =	strace s19  }
0xb: {  	s3 =	sld [smem:$0x3FFC];
	_ =	sdelay $0x3  }
0xc: {  	_ =	strace s3  }
0xd: {  	s3 =	sld [smem:$0x3FFD];
	_ =	sdelay $0x3  }
0xe: {  	_ =	strace s3  }
0xf: {  	_ =	strace $0x8FFFFFFF  }
0x10: {  	s20 =	sld [smem:$0x3FDB];
	_ =	sdelay $0x1  }
0x11: {  	s4 =	simm.s32 $_scs_section_size  }
0x12: {  	s5 =	simm.s32 $_size__tile_overlayer_lowered;
	s6 =	simm.s32 $_tile_overlayer_lowered  }
0x13: {  	s23 =	simm.s32 $0x1BFF;
	s22 =	sshll.u32 s6, $0x1;
	s3 =	sadd.s32 s4, s20  }
0x14: {  	s7 =	simm.s32 $0x0;
	s21 =	sshll.u32 s5, $0x1;
	s5 =	sadd.s32 s22, s3  }
0x15: {  	[timem:s7], [sflag:s23] =	dma.local [hbm:s5], s21  }
0x16: {  	_ =	swait.ge [sflag:s23], s21  }
0x17: {  	s4 =	ssub.s32 $0x0, s21;
	[sflag:s23] =	ssyncset.done $0x0  }
0x18: {  	[sflag:s23] =	ssyncadd.s32 s4;
	_ =	sdelay $0x1  }
0x19: {  	s24 =	simm.s32 $0x1B8B  }
0x1a: {  	_ =	swait.ge [sflag:s24], $0x1  }
0x1b: {  	[sflag:s24] =	ssyncset.done $0x0  }
0x1c: {  	s26 =	simm.s32 $0x1B8E;
	s25 =	sld [smem:$0x3FFE];
	[sflag:s24] =	ssyncadd.s32 $0xFFFFFFFF  }
0x1d: {  	s27 =	simm.s32 $execute0_lowered;
	[smem:$0x3FD2] =	sst s26  }
0x1e: {  	s5 =	sshll.u32 s27, $0x1;
	_ =	strace $0x80000046;
	[dreg:$0x1] =	wrdreg $0xFFFFFFFF  }
0x1f: {  	s28 =	simm.s32 $_size_execute0_lowered;
	s3 =	sadd.s32 s3, s5;
	[dreg:$0x0] =	wrdreg $0x0  }
0x20: {  	s5 =	sshll.u32 s28, $0x1;
	[dreg:$0x2] =	wrdreg s3  }
0x21: {  	[dreg:$0x3] =	wrdreg s5  }
0x22: {  	[dreg:$0x4] =	wrdreg $0xC0  }
0x23: {  	_ =	task [dreg:s7], $0x5FFFF  }
0x24: {  	[dreg:$0x1] =	wrdreg $0xFFFFFFFF  }
0x25: {  	[dreg:$0x0] =	wrdreg $0x60  }
0x26: {  	[dreg:$0x2] =	wrdreg s2  }
0x27: {  	[dreg:$0x3] =	wrdreg s25  }
0x28: {  	[dreg:$0x4] =	wrdreg $0x9  }
0x29: {  	_ =	task.clear_ibuf [dreg:s7], $0x5FFFF;
	_ =	strace $0x90000046  }
0x2a: {  	s29 =	simm.s32 $0x9;
	_ =	strace $0x80000048  }
0x2b: {  	_ =	swait.ge [sflag:s29], $0x1  }
0x2c: {  	[sflag:s29] =	ssyncadd.s32 $0xFFFFFFFF  }
0x2d: {  	_ =	strace $0x90000048  }
0x2e: {  	_ =	sfence  }
0x2f: {  	s30 =	sld [smem:$0x0];
	_ =	sdelay $0x2  }
0x30: {  	s31 =	sshll.u32 s1, $0xD;
	s1 =	sshrl.u32 s1, $0x2  }
0x31: {  	s3 =	sand.u32 $0x4000, s31;
	s1 =	sadd.s32 s1, s30  }
0x32: {  	s0 =	sor.u32 s3, s0;
	s1 =	sshll.u32 s1, $0x11  }
0x33: {  	s0 =	sor.u32 s1, s0  }
0x34: {  	s0 =	sadd.s32 $0x8F2B, s0  }
0x35: {  	[sflag:s0] =	ssyncadd.remote.s32 $0x1  }
0x36: {  	_ =	sfence.sel $0xFFFF  }
0x37: {  	[dreg:$0x0] =	wrdreg $0xFFFFFFFF;
	(pc) =	sbr.abs _section_cstart, $3  }
0x38: {  	[dreg:$0x1] =	wrdreg $0xFFFFFFFF  }
0x39: {  	_ =	task.clear_ibuf [dreg:s7], $0x2FFFF;
	_ =	strace $0x9FFFFFFF  }
0x3a: {  	(tm) =	ssettm $0x7FFFFFFF  }
0x3b: {  	_ =	shalt  }
tec
execute0_lowered:
.L_overlay_start_1:
0x0: {  	(tag) =	ssettag $0x1  }
0x1: {  	s2 =	rddreg [dreg:$0x0]  }
0x2: {  	s1 =	rddreg [dreg:$0x1]  }
0x3: {  	s0 =	rddreg [dreg:$0x2];
	_ =	strace $0x80000047;
	s4 =	srdreg.scid  }
0x4: {  	s6 =	simm.s32 $0x2;
	s11 =	simm.s32 $0x0;
	p0 =	por $0x0, $0x0  }
.Ltmp0:
0x5: {  	s7 =	simm.s32 $0x1000;
	s12 =	simm.s32 $0x0;
	(pc) =	sbr.rel .LBB1_1-.Ltmp0, $4  }
0x6: {  	s9 =	simm.s32 $0x0;
	s3 =	sadd.s32 $0xC00, s1;
	s5 =	sshll.u32 s4, $0x4  }
0x7: {  	s1 =	stileid.u32;
	s4 =	simm.s32 $0x1;
	s5 =	sand.u32 $0x10, s5  }
0x8: {  	s8 =	simm.s32 $0x0;
	[sflag:s4] =	ssyncpa.u1 $0x0;
	s5 =	sor.u32 s1, s5  }
0x9: {  	[sflag:s6] =	ssyncpa.u1 $0x0;
	s6 =	simm.s32 $0x800;
	s10 =	smov.u32 s5  }
.LBB1_7:
0xa: {  	s13 =	sadd.s32 $0x10, s9  }
0xb: {  	s11 =	sadd.s32 $0x20, s10;
	s15 =	smov.u32 s10;
	p2 =	sgt.s32 s13, $0x1F  }
0xc: {  	p1 =	slt.u32 s8, $0x2;
	s15 =	smov.u32 @p2 s11  }
0xd: {  	s8 =	sadd.s32 $0x1, s8;
	s13 =	simm.s32 @p2 $0x0;
	p2 =	sgt.s32 s15, $0x7FF  }
0xe: {  	s15 =	smov.u32 @p2 s5;
	p2 =	sne.s32 s8, $0x82  }
.Ltmp1:
0xf: {  	_ = 	snop;
	(pc) =	sbr.rel @!p2 .LBB1_8-.Ltmp1, $4  }
0x10: {  	s14 =	simm.s32 @!p1 $0x2  }
0x11: {  	s12 =	smov.u32 s10;
	_ =	swait.ge @!p1 [sflag:s14], $0x4000  }
0x12: {  	p0 =	por !p0, !p0;
	s11 =	smov.u32 s9;
	[sflag:s14] =	ssyncset.done @!p1 $0x0  }
0x13: {  	s9 =	smov.u32 s13;
	[sflag:s14] =	ssyncadd.s32 @!p1 $0xFFFFC000;
	s10 =	smov.u32 s15  }
.LBB1_1:
0x14: {  	p1 =	sgt.u32 s8, $0x7F  }
0x15: {  	s13 =	sxor.u32 @!p1 $0xFFFFFFFF, s8;
	s14 =	sshll.u32 @!p1 s10, $0xC  }
0x16: {  	s15 =	sshll.u32 @!p1 s9, $0x7;
	s13 =	sshll.u32 @!p1 s13, $0xE;
	s14 =	sadd.s32 @!p1 s2, s14  }
0x17: {  	s13 =	sand.u32 @!p1 $0x4000, s13;
	s14 =	sadd.s32 @!p1 s15, s14;
	s15 =	simm.s32 @!p1 $0x0  }
0x18: {  	[tilespmem:s13], [sflag:$0x1] =	stream.linear.gather @!p1 [hbm4b:s14+s15], $0x4000, $0x38;
	[tilespmem:$0x10000] =	vst v63  }
0x19: {  	p1 =	seq.s32 s8, $0x0  }
0x1a: {  	p2 =	seq.s32 @!p1 s8, $0x81  }
0x1b: {  	p1 =	por p1, p2  }
.Ltmp2:
0x1c: {  	_ = 	snop;
	(pc) =	sbr.rel @p1 .LBB1_7-.Ltmp2, $1  }
0x1d: {  	_ =	sdelay $0x3  }
0x1e: {  	s13 =	simm.s32 $0x1;
	_ =	swait.ge [sflag:s4], $0x4000;
	s16 =	sshll.u32 s8, $0xE  }
0x1f: {  	s13 =	simm.s32 @!p0 $0x0;
	[sflag:s4] =	ssyncset.done $0x0;
	s31 =	sand.u32 $0x4000, s16  }
0x20: {  	s16 =	simm.s32 $0x0;
	s14 =	sshll.u32 s13, $0xE;
	[sflag:s4] =	ssyncadd.s32 $0xFFFFC000  }
0x21: {  	s13 =	sor.u32 $0x8040, s14;
	s15 =	sor.u32 $0x40, s14;
	s14 =	sor.u32 $0x8000, s31  }
.LBB1_3:
0x22: {  	v0 =	vmov s15;
	_ =	sdelay $0x3  }
0x23: {  	s18 =	simm.s32 $0x0  }
0x24: {  	v6 =	vld.idx.msk [tilespmem:v0+s18+$0x30 ss:$0x1], $0xffff  }
0x25: {  	v7 =	vld.idx.msk [tilespmem:v0+s18+$0xFFFFFFC0 ss:$0x1], $0xffff  }
0x26: {  	v5 =	vld.idx.msk [tilespmem:v0+s18+$0xFFFFFFD0 ss:$0x1], $0xffff  }
0x27: {  	v4 =	vld.idx.msk [tilespmem:v0+s18+$0xFFFFFFE0 ss:$0x1], $0xffff  }
0x28: {  	v3 =	vld.idx.msk [tilespmem:v0+s18+$0xFFFFFFF0 ss:$0x1], $0xffff  }
0x29: {  	v1 =	vld.idx.msk [tilespmem:v0+s18+$0x0 ss:$0x1], $0xffff  }
0x2a: {  	v2 =	vld.idx.msk [tilespmem:v0+s18+$0x10 ss:$0x1], $0xffff;
	[tilespmem:s13+$0x30] =	vst v6  }
0x2b: {  	s17 =	simm.s32 $0x80;
	s19 =	simm.s32 $0x400;
	[tilespmem:s13+$0xFFFFFFC0] =	vst v7;
	v6 =	vld.idx.msk [tilespmem:v0+s18+$0x20 ss:$0x1], $0xffff;
	s18 =	smov.u32 s13  }
.LBB1_4:
0x2c: {  	p1 =	sne.s32 s19, $0xE00;
	v7 =	vld.idx.msk [tilespmem:v0+s17+$0x30 ss:$0x1], $0xffff;
	[tilespmem:s18+$0xFFFFFFD0] =	vst v5  }
0x2d: {  	v8 =	vld.idx.msk [tilespmem:v0+s17+$0xFFFFFFC0 ss:$0x1], $0xffff;
	[tilespmem:s18+$0xFFFFFFE0] =	vst v4  }
0x2e: {  	v5 =	vld.idx.msk [tilespmem:v0+s17+$0xFFFFFFD0 ss:$0x1], $0xffff;
	[tilespmem:s18+$0xFFFFFFF0] =	vst v3  }
.Ltmp3:
0x2f: {  	v4 =	vld.idx.msk [tilespmem:v0+s17+$0xFFFFFFE0 ss:$0x1], $0xffff;
	[tilespmem:s18+$0x0] =	vst v1;
	(pc) =	sbr.rel @p1 .LBB1_4-.Ltmp3, $4  }
0x30: {  	v3 =	vld.idx.msk [tilespmem:v0+s17+$0xFFFFFFF0 ss:$0x1], $0xffff;
	[tilespmem:s18+$0x10] =	vst v2  }
0x31: {  	v1 =	vld.idx.msk [tilespmem:v0+s17+$0x0 ss:$0x1], $0xffff;
	[tilespmem:s18+$0x20] =	vst v6;
	s18 =	sadd.s32 $0x800, s18  }
0x32: {  	v2 =	vld.idx.msk [tilespmem:v0+s17+$0x10 ss:$0x1], $0xffff;
	[tilespmem:s18+$0x30] =	vst v7  }
0x33: {  	[tilespmem:s18+$0xFFFFFFC0] =	vst v8;
	v6 =	vld.idx.msk [tilespmem:v0+s17+$0x20 ss:$0x1], $0xffff;
	s17 =	sshra.s32 s19, $0x2;
	s19 =	sadd.s32 $0x200, s19  }
0x34: {  	_ =	sdelay $0x2  }
0x35: {  	[tilespmem:s18+$0xFFFFFFD0] =	vst v5  }
0x36: {  	v56 =	vld.idx.msk [tilespmem:v0+s17+$0x30 ss:$0x1], $0xffff;
	[tilespmem:s18+$0xFFFFFFE0] =	vst v4  }
0x37: {  	v57 =	vld.idx.msk [tilespmem:v0+s17+$0xFFFFFFC0 ss:$0x1], $0xffff;
	[tilespmem:s18+$0xFFFFFFF0] =	vst v3  }
0x38: {  	v58 =	vld.idx.msk [tilespmem:v0+s17+$0xFFFFFFD0 ss:$0x1], $0xffff;
	[tilespmem:s18+$0x0] =	vst v1  }
0x39: {  	v59 =	vld.idx.msk [tilespmem:v0+s17+$0xFFFFFFE0 ss:$0x1], $0xffff;
	[tilespmem:s18+$0x10] =	vst v2  }
0x3a: {  	v60 =	vld.idx.msk [tilespmem:v0+s17+$0xFFFFFFF0 ss:$0x1], $0xffff;
	s31 =	sadd.s32 $0x800, s18;
	[tilespmem:s18+$0x20] =	vst v6  }
0x3b: {  	v61 =	vld.idx.msk [tilespmem:v0+s17+$0x0 ss:$0x1], $0xffff;
	[tilespmem:s31+$0x30] =	vst v56  }
0x3c: {  	v62 =	vld.idx.msk [tilespmem:v0+s17+$0x10 ss:$0x1], $0xffff;
	s16 =	sadd.s32 $0x1, s16;
	[tilespmem:s31+$0xFFFFFFC0] =	vst v57  }
0x3d: {  	v63 =	vld.idx.msk [tilespmem:v0+s17+$0x20 ss:$0x1], $0xffff;
	p1 =	sne.s32 s16, $0x10;
	[tilespmem:s31+$0xFFFFFFD0] =	vst v58  }
.Ltmp4:
0x3e: {  	[tilespmem:s31+$0xFFFFFFE0] =	vst v59;
	(pc) =	sbr.rel @p1 .LBB1_3-.Ltmp4, $4  }
0x3f: {  	[tilespmem:s31+$0xFFFFFFF0] =	vst v60  }
0x40: {  	[tilespmem:s31+$0x0] =	vst v61  }
0x41: {  	[tilespmem:s31+$0x10] =	vst v62  }
0x42: {  	s13 =	sadd.s32 $0x80, s13;
	s15 =	sadd.s32 $0x400, s15;
	[tilespmem:s31+$0x20] =	vst v63  }
.Ltmp5:
0x43: {  	(pc) =	sbr.rel .LBB1_7-.Ltmp5, $4  }
0x44: {  	s12 =	sshll.u32 s12, $0xC;
	s11 =	sshll.u32 s11, $0x4  }
0x45: {  	s11 =	sand.u32 $0x1F0, s11;
	s12 =	sadd.s32 s3, s12  }
0x46: {  	s11 =	sadd.s32 s11, s12  }
0x47: {  	[hbm4b:s11+s6] =	stream.strided.scatter [tilespmem:s14], [sflag:$0x2], $0x4000, s7, s6, $0x38;
	[tilespmem:$0x10000] =	vst v63  }
.LBB1_8:
0x48: {  	_ =	sfence.sel $0x180000  }
0x49: {  	s2 =	simm.s32 $0x1;
	[bflag:$0x0] =	sbarrier.arrive $0xFFFF  }
0x4a: {  	s31 =	simm.s32 $0x2;
	[sflag:s2] =	ssyncpa.u1 $0x1  }
0x4b: {  	[sflag:s31] =	ssyncpa.u1 $0x1  }
0x4c: {  	p0 =	sne.s32 s1, $0x0;
	_ =	strace $0x90000047  }
0x4d: {  	s0 =	sadd.s32 @!p0 $0x100000, s0;
	[bflag:$0x2] =	sbarrier.arrive $0xFFFF  }
0x4e: {  	[sflag:s0] =	ssyncadd.tile.s32 @!p0 $0x1;
	_ =	shalt  }
.Lfunc_end1:
_tile_overlayer_lowered:
.L_overlay_start_2:
0x4f: {  	(tag) =	ssettag $0x2  }
0x50: {  	s0 =	rddreg [dreg:$0x0];
	s2 =	stileid.u32  }
0x51: {  	s1 =	rddreg [dreg:$0x1];
	p0 =	sne.s32 s2, $0x0  }
0x52: {  	s3 =	rddreg [dreg:$0x2];
	[bflag:$0x3] =	sbarrier.arrive $0xFFFF;
	s2 =	simm.s32 @!p0 $0x1C01  }
0x53: {  	[timem:s3], [sflag:s2] =	dma.local @!p0 [hbm:s0], s1  }
0x54: {  	s0 =	simm.s32 @!p0 $0x1  }
0x55: {  	_ =	swait.ge @!p0 [sflag:s0], s1  }
0x56: {  	s1 =	ssub.s32 @!p0 $0x0, s1;
	[sflag:s0] =	ssyncset.done @!p0 $0x0  }
0x57: {  	[sflag:s0] =	ssyncadd.s32 @!p0 s1  }
0x58: {  	[bflag:$0x3] =	sbarrier.arrive $0xFFFF  }
0x59: {  	_ =	shalt  }

</sc_bundles>
